<compile_context>
chip_gen: v7x
topology: tpu7x:2x2x1
jax: 0.10.2.dev20260603
libtpu: 0.0.44.dev20260713+nightly
codegen_flags: <defaults>
</compile_context>

<pallas_src>
import functools

import numpy as np
import jax
import jax.numpy as jnp
from jax import lax
from jax.experimental import pallas as pl
from jax.experimental.pallas import tpu as pltpu
from jax.experimental.pallas import tpu_sc as plsc

NNODE = 100000
NELEM = 100000
NPE = 4
NGP = 4
HID = 32

NC = 2
NS = 16
NW = NC * NS
NROWS = NELEM * NPE
RPW = NROWS // NW
IW = 128
NCH = -(-RPW // IW)
PADW = NCH * IW

BE = 2000


def _sel(shape, entries):
    m = np.zeros(shape, dtype=np.float32)
    for idx, v in entries:
        m[idx] = v
    return m


_K = _sel((8, 96), [((j, g * 24 + i * 8 + j), 1.0)
                    for g in range(4) for i in range(3) for j in range(8)])
_S = _sel((96, 12), [((g * 24 + i * 8 + j, g * 3 + i), 1.0)
                     for g in range(4) for i in range(3) for j in range(8)])
_P = _sel((12, 12), [((g * 3 + i, i * 4 + g), 1.0)
                     for g in range(4) for i in range(3)])
_E0 = _sel((4, 8), [((g, 2 * g), 1.0) for g in range(4)])
_E1 = _sel((4, 8), [((g, 2 * g + 1), 1.0) for g in range(4)])
_SELP = _sel((8, 4), [((2 * g, g), 1.0) for g in range(4)])
_SELQ = _sel((8, 4), [((2 * g + 1, g), 1.0) for g in range(4)])
_X = _sel((12, 96), [((i * 4 + g, g * 24 + i * 8 + j), 1.0)
                     for g in range(4) for i in range(3) for j in range(8)])
_R = _sel((96, 8), [((g * 24 + i * 8 + j, j), 1.0)
                    for g in range(4) for i in range(3) for j in range(8)])

_CONSTS = (_K, _S, _P, _E0, _E1, _SELP, _SELQ, _X, _R)

_SQ23 = float(np.sqrt(2.0 / 3.0))


def _mm(a, b):
    return jax.lax.dot_general(
        a, b, (((a.ndim - 1,), (0,)), ((), ())),
        precision=jax.lax.Precision.DEFAULT,
        preferred_element_type=jnp.float32)


def _mul_body(u_ref, w_ref, o_ref):
    o_ref[...] = u_ref[...] * w_ref[...]


def _scale_u(u, weight1):
    u2 = pl.pallas_call(
        _mul_body,
        out_shape=jax.ShapeDtypeStruct((400, 500), jnp.float32),
    )(u.reshape(400, 500), weight1.reshape(400, 500))
    return u2.reshape(NNODE, 2)


@functools.cache
def _sc_mesh():
    return plsc.VectorSubcoreMesh(core_axis_name="c", subcore_axis_name="s",
                                  num_cores=NC, num_subcores=NS)


@functools.cache
def _sc_gather_kernel():
    @functools.partial(
        pl.kernel,
        out_type=jax.ShapeDtypeStruct((NW, NCH, IW, 2), jnp.float32),
        mesh=_sc_mesh(),
        scratch_types=[
            pltpu.VMEM((NCH, IW), jnp.int32),
            pltpu.VMEM((NCH, IW, 2), jnp.float32),
            pltpu.SemaphoreType.DMA,
        ],
        compiler_params=pltpu.CompilerParams(use_tc_tiling_on_sc=False),
    )
    def _sc_gather(u2_hbm, idx_hbm, out_hbm, idx_v, rows_v, sem):
        wid = lax.axis_index("s") * NC + lax.axis_index("c")
        pltpu.sync_copy(idx_hbm.at[wid], idx_v)

        def body(j, carry):
            pltpu.async_copy(u2_hbm.at[idx_v.at[j]], rows_v.at[j], sem).wait()
            return carry

        lax.fori_loop(0, NCH, body, 0)
        pltpu.sync_copy(rows_v, out_hbm.at[wid])

    return _sc_gather


def _dense_body(b_ref, ue_ref, jacc_ref, gpw_ref, w1_ref, b1_ref, w2_ref,
                b2_ref, sinp_ref, linp_ref, sgrad_ref, lgrad_ref,
                k_ref, s_ref, p_ref, e0_ref, e1_ref, selp_ref, selq_ref,
                x_ref, r_ref, out_ref):
    bblk = b_ref[...]
    ue = ue_ref[...]

    strain = _mm(bblk * _mm(ue, k_ref[...]), s_ref[...])
    comps = _mm(strain, p_ref[...])
    e00 = comps[:, 0:4]
    e11 = comps[:, 4:8]
    e12 = comps[:, 8:12]

    ev = e00 + e11
    d00 = e00 - ev * (1.0 / 3.0)
    d11 = e11 - ev * (1.0 / 3.0)
    d01 = e12 * 0.5
    d22 = -ev * (1.0 / 3.0)
    det = jnp.sqrt(d00 * d00 + d11 * d11 + d22 * d22 + 2.0 * d01 * d01)
    es = det * _SQ23

    ns0 = ev * sinp_ref[0, 0] + linp_ref[0, 0]
    ns1 = es * sinp_ref[0, 1] + linp_ref[0, 1]
    ns8 = _mm(ns0, e0_ref[...]) + _mm(ns1, e1_ref[...])

    h = jnp.tanh(_mm(ns8, w1_ref[...]) + b1_ref[...])
    grad8 = _mm(h, w2_ref[...]) + b2_ref[...]
    p = (_mm(grad8, selp_ref[...]) - lgrad_ref[0, 0]) / sgrad_ref[0, 0]
    q = (_mm(grad8, selq_ref[...]) - lgrad_ref[0, 1]) / sgrad_ref[0, 1]

    coef = _SQ23 * q / det
    w4 = jacc_ref[...] * gpw_ref[...]
    s00 = (p + coef * d00) * w4
    s11 = (p + coef * d11) * w4
    s01 = (coef * d01) * w4
    sw12 = jnp.concatenate([s00, s11, s01], axis=1)
    out_ref[...] = _mm(bblk * _mm(sw12, x_ref[...]), r_ref[...])


def _dense(Bf, ue, Jacc, gp_w, W1big, b1big, W2big, b2big,
           sinp, linp, sgrad, lgrad):
    grid = (NELEM // BE,)
    return pl.pallas_call(
        _dense_body,
        grid=grid,
        in_specs=[
            pl.BlockSpec((BE, 96), lambda i: (i, 0)),
            pl.BlockSpec((BE, 8), lambda i: (i, 0)),
            pl.BlockSpec((BE, 4), lambda i: (i, 0)),
            pl.BlockSpec((1, 4), lambda i: (0, 0)),
            pl.BlockSpec((8, 128), lambda i: (0, 0)),
            pl.BlockSpec((1, 128), lambda i: (0, 0)),
            pl.BlockSpec((128, 8), lambda i: (0, 0)),
            pl.BlockSpec((1, 8), lambda i: (0, 0)),
            pl.BlockSpec((1, 2), lambda i: (0, 0)),
            pl.BlockSpec((1, 2), lambda i: (0, 0)),
            pl.BlockSpec((1, 2), lambda i: (0, 0)),
            pl.BlockSpec((1, 2), lambda i: (0, 0)),
        ] + [pl.BlockSpec(c.shape, lambda i: (0, 0)) for c in _CONSTS],
        out_specs=pl.BlockSpec((BE, 8), lambda i: (i, 0)),
        out_shape=jax.ShapeDtypeStruct((NELEM, 8), jnp.float32),
    )(Bf, ue, Jacc, gp_w, W1big, b1big, W2big, b2big,
      sinp, linp, sgrad, lgrad, *_CONSTS)


NDOF = 2 * NNODE
RPW2 = NDOF * NPE // NW
NCH2 = RPW2 // IW + 1
PADW2 = NCH2 * IW
ZSL = NDOF // 8


@functools.cache
def _sc_scatter_kernel():
    @functools.partial(
        pl.kernel,
        out_type=jax.ShapeDtypeStruct((NC, NDOF), jnp.float32),
        mesh=_sc_mesh(),
        scratch_types=[
            pltpu.VMEM((NCH2, IW), jnp.int32),
            pltpu.VMEM((NCH2, IW), jnp.float32),
            pltpu.VMEM_SHARED((NDOF,), jnp.float32),
        ],
        compiler_params=pltpu.CompilerParams(use_tc_tiling_on_sc=False),
    )
    def _sc_scatter(idx_hbm, vals_hbm, zeros_hbm, out_hbm, idx_v, vals_v,
                    acc_sh):
        cid = lax.axis_index("c")
        sid = lax.axis_index("s")
        wid = sid * NC + cid

        @pl.when(sid < 8)
        def _():
            pltpu.sync_copy(zeros_hbm.at[pl.ds(sid * ZSL, ZSL)],
                            acc_sh.at[pl.ds(sid * ZSL, ZSL)])

        pltpu.sync_copy(idx_hbm.at[wid], idx_v)
        pltpu.sync_copy(vals_hbm.at[wid], vals_v)
        plsc.subcore_barrier()

        def body(j, carry):
            pltpu.sync_copy(vals_v.at[j], acc_sh.at[idx_v.at[j]], add=True)
            return carry

        lax.fori_loop(0, NCH2, body, 0)
        plsc.subcore_barrier()

        @pl.when(sid < 8)
        def _():
            pltpu.sync_copy(acc_sh.at[pl.ds(sid * ZSL, ZSL)],
                            out_hbm.at[cid, pl.ds(sid * ZSL, ZSL)])

    return _sc_scatter


def _add_body(p_ref, o_ref):
    o_ref[...] = p_ref[0] + p_ref[1]


def _final_add(partials):
    out = pl.pallas_call(
        _add_body,
        out_shape=jax.ShapeDtypeStruct((400, 500), jnp.float32),
    )(partials.reshape(2, 400, 500))
    return out.reshape(2 * NNODE)


def _pad_rows(x32):
    pad = [(0, 0), (0, PADW - RPW)] + [(0, 0)] * (x32.ndim - 2)
    return jnp.pad(x32, pad).reshape((NW, NCH, IW) + x32.shape[2:])


def kernel(u, connectivity, B, Jacc, gp_w, weight1, W1, b1, W2, b2,
           scales_inp, limits_inp, scales_grad, limits_grad):
    u2 = _scale_u(u, weight1)

    conn_w = connectivity.reshape(NW, RPW)
    idxp = _pad_rows(conn_w)

    rows = _sc_gather_kernel()(u2, idxp)
    ue = rows.reshape(NW, PADW, 2)[:, :RPW].reshape(NELEM, NPE * 2)

    eye4 = jnp.eye(NGP, dtype=jnp.float32)
    W1big = jnp.kron(eye4, W1)
    W2big = jnp.kron(eye4, W2)
    b1big = jnp.tile(b1, NGP).reshape(1, NGP * HID)
    b2big = jnp.tile(b2, NGP).reshape(1, NGP * 2)

    e_p = _dense(B.reshape(NELEM, 96), ue, Jacc,
                 gp_w.reshape(1, NGP), W1big, b1big, W2big, b2big,
                 scales_inp.reshape(1, 2), limits_inp.reshape(1, 2),
                 scales_grad.reshape(1, 2), limits_grad.reshape(1, 2))

    endof = jnp.stack([2 * connectivity, 2 * connectivity + 1],
                      axis=-1).reshape(NW, RPW2)
    idx2p = jnp.pad(endof, ((0, 0), (0, PADW2 - RPW2))).reshape(NW, NCH2, IW)
    vals2p = jnp.pad(e_p.reshape(NW, RPW2),
                     ((0, 0), (0, PADW2 - RPW2))).reshape(NW, NCH2, IW)
    zeros = jnp.zeros((NDOF,), jnp.float32)
    partials = _sc_scatter_kernel()(idx2p, vals2p, zeros)
    return _final_add(partials)

# --- scband reference (transcript-rebuilt; emitter-appended) ---
"""Pipeline reference for scband-nnmodel2-4526895530075 (READ-ONLY COPY).

The authoritative reference and input builder live on the scoring server;
editing this copy changes nothing except your own understanding.
"""

import jax, jax.numpy as jnp
import numpy as np

NNODE = 100000
NELEM = 100000
NPE = 4
NGP = 4
HID = 32

def setup_inputs(seed: int = 0) -> dict:
    key = jax.random.key(seed)
    ks = jax.random.split(key, 8)
    u = jax.random.normal(ks[0], (2 * NNODE,), dtype=jnp.float32)
    connectivity = jax.random.randint(ks[1], (NELEM, NPE), 0, NNODE, dtype=jnp.int32)
    B = jax.random.normal(ks[2], (NELEM, NGP, 3, 2 * NPE), dtype=jnp.float32)
    Jacc = jax.random.uniform(ks[3], (NELEM, NGP), dtype=jnp.float32, minval=0.5, maxval=1.5)
    gp_w = jnp.ones((NGP,), dtype=jnp.float32)
    # learned parameter of NNModel2 (all dofs free: IndexBCN = arange(2*NNode))
    weight1 = jax.random.normal(ks[4], (2 * NNODE,), dtype=jnp.float32) / 10.0
    # constitutive surrogate model: 2 -> HID -> 2 tanh MLP with input/grad normalization constants
    W1 = jax.random.normal(ks[5], (2, HID), dtype=jnp.float32) / np.sqrt(2.0)
    b1 = jnp.zeros((HID,), dtype=jnp.float32)
    W2 = jax.random.normal(ks[6], (HID, 2), dtype=jnp.float32) / np.sqrt(HID)
    b2 = jnp.zeros((2,), dtype=jnp.float32)
    scales_inp = jnp.array([100.0, 100.0], dtype=jnp.float32)
    limits_inp = jnp.array([0.0, 0.0], dtype=jnp.float32)
    scales_grad = jnp.array([0.01, 0.01], dtype=jnp.float32)
    limits_grad = jnp.array([0.0, 0.0], dtype=jnp.float32)
    return {"u": u, "connectivity": connectivity, "B": B, "Jacc": Jacc, "gp_w": gp_w,
            "weight1": weight1, "W1": W1, "b1": b1, "W2": W2, "b2": b2,
            "scales_inp": scales_inp, "limits_inp": limits_inp,
            "scales_grad": scales_grad, "limits_grad": limits_grad}

def reference(u, connectivity, B, Jacc, gp_w, weight1, W1, b1, W2, b2,
              scales_inp, limits_inp, scales_grad, limits_grad):
    width = 1.0
    # Node.u_torch1[IndexBCN] = weight1 * Node.u_torch[IndexBCN]  (all dofs free)
    u1 = weight1 * u
    # ElementalNodeDof: interleave [2*n, 2*n+1] for each element node (gather indices)
    endof = jnp.stack([2 * connectivity, 2 * connectivity + 1], axis=-1).reshape(connectivity.shape[0], -1)  # [E, 8]
    u_e = u1[endof]  # gather nodal dofs per element
    # strain = B_GP @ u[ENdof] for every element and gauss point
    strain = jnp.einsum('egij,ej->egi', B, u_e)  # [E, G, 3]
    # StrainInvarants
    ev = strain[..., 0] + strain[..., 1]
    d00 = strain[..., 0] - ev / 3.0
    d11 = strain[..., 1] - ev / 3.0
    d01 = strain[..., 2] / 2.0
    d22 = -ev / 3.0
    det = jnp.sqrt(d00 ** 2 + d11 ** 2 + d22 ** 2 + 2.0 * d01 ** 2)  # frob norm of dev tensor
    es = det * np.sqrt(2.0 / 3.0)
    # NormalizeInput
    ns0 = ev * scales_inp[0] + limits_inp[0]
    ns1 = es * scales_inp[1] + limits_inp[1]
    normstrain = jnp.stack([ns0, ns1], axis=-1)  # [E, G, 2]
    # model.forward(normstrain)
    h = jnp.tanh(normstrain @ W1 + b1)
    grad_pred = h @ W2 + b2  # [E, G, 2]
    # UnNormalizeInput
    p = (grad_pred[..., 0] - limits_grad[0]) / scales_grad[0]
    q = (grad_pred[..., 1] - limits_grad[1]) / scales_grad[1]
    # InvarantsToStress: stress = eye*p + sqrt(2/3)*q*n, n = devT/det; take voigt [s00, s11, s01]
    coef = np.sqrt(2.0 / 3.0) * q / det
    s00 = p + coef * d00
    s11 = p + coef * d11
    s01 = coef * d01
    stress = jnp.stack([s00, s11, s01], axis=-1)  # [E, G, 3]
    # GP_P = B_GP.T @ stress * (width * Jacc * gp_weight)
    w = width * Jacc * gp_w[None, :]  # [E, G]
    gp_p = jnp.einsum('egij,egi,eg->egj', B, stress, w)  # [E, G, 8]
    e_p = gp_p.sum(axis=1)  # [E, 8]
    # AssembleageForce: scatter-add element forces into global dof vector
    global_f = jnp.zeros(u.shape[0], dtype=u.dtype).at[endof.reshape(-1)].add(e_p.reshape(-1))
    return global_f

if __name__ == "__main__":
    import jax
    _d = setup_inputs()
    print(jax.jit(kernel)(*tuple(_d.values())))

</pallas_src>

<mosaic_0001>
#map = affine_map<(d0, d1) -> (0, 0, 0)>
#map1 = affine_map<(d0, d1) -> (0)>
#map2 = affine_map<(d0, d1) -> (0, 0)>
module attributes {stable_mosaic.version = 14 : i64} {
  func.func @_sc_scatter(%arg0: i32, %arg1: i32, %arg2: memref<32x196x128xi32, #tpu.memory_space<hbm>>, %arg3: memref<32x196x128xf32, #tpu.memory_space<hbm>>, %arg4: memref<200000xf32, #tpu.memory_space<hbm>>, %arg5: memref<2x200000xf32, #tpu.memory_space<hbm>>, %arg6: memref<196x128xi32, #tpu.memory_space<vmem>>, %arg7: memref<196x128xf32, #tpu.memory_space<vmem>>, %arg8: memref<200000xf32, #tpu.memory_space<vmem_shared>>) attributes {dimension_semantics = [#tpu.dimension_semantics<core_parallel>, #tpu.dimension_semantics<subcore_parallel>], iteration_bounds = array<i64: 2, 16>, scalar_prefetch = 0 : i64, scratch_operands = 3 : i64, tpu.core_type = #tpu.core_type<sc_vector_subcore>, window_params = [{transform_indices = #map}, {transform_indices = #map}, {transform_indices = #map1}, {transform_indices = #map2}]} {
    %mul3A = arith.constant 2 : i32
    %mul3A_0 = arith.muli %arg1, %mul3A : i32
    %add3A = arith.addi %mul3A_0, %arg0 : i32
    %lt3A = arith.constant 8 : i32
    %lt3A_1 = arith.cmpi slt, %arg1, %lt3A : i32
    %convert_element_type3A = arith.extui %lt3A_1 : i1 to i32
    %cond3A = arith.constant 0 : i32
    %cond3A_2 = arith.cmpi ne, %convert_element_type3A, %cond3A : i32
    scf.if %cond3A_2 {
      %mul3A_14 = arith.constant 25000 : i32
      %mul3A_15 = arith.muli %arg1, %mul3A_14 : i32
      %mul3A_16 = arith.constant 25000 : i32
      %mul3A_17 = arith.muli %arg1, %mul3A_16 : i32
      "tpu.region"() ({
        %run_scoped3A = tpu.sem_alloc : memref<!tpu.dma_semaphore, #tpu.memory_space<semaphore_mem>>
        %dma_start3A = tpu.memref_slice %arg8[%mul3A_17] : memref<200000xf32, #tpu.memory_space<vmem_shared>> -> memref<25000xf32, #tpu.memory_space<vmem_shared>>
        %dma_start3A_18 = tpu.memref_slice %arg4[%mul3A_15] : memref<200000xf32, #tpu.memory_space<hbm>> -> memref<25000xf32, #tpu.memory_space<hbm>>
        tpu.enqueue_dma source(%dma_start3A_18 : memref<25000xf32, #tpu.memory_space<hbm>>) target(%dma_start3A : memref<25000xf32, #tpu.memory_space<vmem_shared>>) target_semaphore(%run_scoped3A : memref<!tpu.dma_semaphore, #tpu.memory_space<semaphore_mem>>)
        %dma_wait3A = tpu.memref_slice %arg8[%mul3A_17] : memref<200000xf32, #tpu.memory_space<vmem_shared>> -> memref<25000xf32, #tpu.memory_space<vmem_shared>>
        %dma_wait3A_19 = tpu.memref_slice %arg4[%mul3A_15] : memref<200000xf32, #tpu.memory_space<hbm>> -> memref<25000xf32, #tpu.memory_space<hbm>>
        tpu.wait_dma2 semaphore(%run_scoped3A : memref<!tpu.dma_semaphore, #tpu.memory_space<semaphore_mem>>) src(%dma_wait3A_19 : memref<25000xf32, #tpu.memory_space<hbm>>) dst(%dma_wait3A : memref<25000xf32, #tpu.memory_space<vmem_shared>>)
        tpu.yield
      }) : () -> ()
    } else {
    }
    "tpu.region"() ({
      %run_scoped3A = tpu.sem_alloc : memref<!tpu.dma_semaphore, #tpu.memory_space<semaphore_mem>>
      %dma_start3A = arith.constant 0 : i32
      %dma_start3A_14 = arith.constant 0 : i32
      %dma_start3A_15 = tpu.memref_slice %arg2[%add3A, %dma_start3A, %dma_start3A_14] : memref<32x196x128xi32, #tpu.memory_space<hbm>> -> memref<1x196x128xi32, #tpu.memory_space<hbm>>
      %dma_start3A_16 = tpu.memref_squeeze %dma_start3A_15 : memref<1x196x128xi32, #tpu.memory_space<hbm>> -> memref<196x128xi32, #tpu.memory_space<hbm>>
      %dma_start3A_17 = arith.constant 0 : i32
      %dma_start3A_18 = arith.constant 0 : i32
      %dma_start3A_19 = tpu.memref_slice %arg2[%add3A, %dma_start3A_17, %dma_start3A_18] : memref<32x196x128xi32, #tpu.memory_space<hbm>> -> memref<1x196x128xi32, #tpu.memory_space<hbm>>
      %dma_start3A_20 = tpu.memref_squeeze %dma_start3A_19 : memref<1x196x128xi32, #tpu.memory_space<hbm>> -> memref<196x128xi32, #tpu.memory_space<hbm>>
      tpu.enqueue_dma source(%dma_start3A_20 : memref<196x128xi32, #tpu.memory_space<hbm>>) target(%arg6 : memref<196x128xi32, #tpu.memory_space<vmem>>) target_semaphore(%run_scoped3A : memref<!tpu.dma_semaphore, #tpu.memory_space<semaphore_mem>>)
      %dma_wait3A = arith.constant 0 : i32
      %dma_wait3A_21 = arith.constant 0 : i32
      %dma_wait3A_22 = tpu.memref_slice %arg2[%add3A, %dma_wait3A, %dma_wait3A_21] : memref<32x196x128xi32, #tpu.memory_space<hbm>> -> memref<1x196x128xi32, #tpu.memory_space<hbm>>
      %dma_wait3A_23 = tpu.memref_squeeze %dma_wait3A_22 : memref<1x196x128xi32, #tpu.memory_space<hbm>> -> memref<196x128xi32, #tpu.memory_space<hbm>>
      %dma_wait3A_24 = arith.constant 0 : i32
      %dma_wait3A_25 = arith.constant 0 : i32
      %dma_wait3A_26 = tpu.memref_slice %arg2[%add3A, %dma_wait3A_24, %dma_wait3A_25] : memref<32x196x128xi32, #tpu.memory_space<hbm>> -> memref<1x196x128xi32, #tpu.memory_space<hbm>>
      %dma_wait3A_27 = tpu.memref_squeeze %dma_wait3A_26 : memref<1x196x128xi32, #tpu.memory_space<hbm>> -> memref<196x128xi32, #tpu.memory_space<hbm>>
      tpu.wait_dma2 semaphore(%run_scoped3A : memref<!tpu.dma_semaphore, #tpu.memory_space<semaphore_mem>>) src(%dma_wait3A_27 : memref<196x128xi32, #tpu.memory_space<hbm>>) dst(%arg6 : memref<196x128xi32, #tpu.memory_space<vmem>>)
      tpu.yield
    }) : () -> ()
    "tpu.region"() ({
      %run_scoped3A = tpu.sem_alloc : memref<!tpu.dma_semaphore, #tpu.memory_space<semaphore_mem>>
      %dma_start3A = arith.constant 0 : i32
      %dma_start3A_14 = arith.constant 0 : i32
      %dma_start3A_15 = tpu.memref_slice %arg3[%add3A, %dma_start3A, %dma_start3A_14] : memref<32x196x128xf32, #tpu.memory_space<hbm>> -> memref<1x196x128xf32, #tpu.memory_space<hbm>>
      %dma_start3A_16 = tpu.memref_squeeze %dma_start3A_15 : memref<1x196x128xf32, #tpu.memory_space<hbm>> -> memref<196x128xf32, #tpu.memory_space<hbm>>
      %dma_start3A_17 = arith.constant 0 : i32
      %dma_start3A_18 = arith.constant 0 : i32
      %dma_start3A_19 = tpu.memref_slice %arg3[%add3A, %dma_start3A_17, %dma_start3A_18] : memref<32x196x128xf32, #tpu.memory_space<hbm>> -> memref<1x196x128xf32, #tpu.memory_space<hbm>>
      %dma_start3A_20 = tpu.memref_squeeze %dma_start3A_19 : memref<1x196x128xf32, #tpu.memory_space<hbm>> -> memref<196x128xf32, #tpu.memory_space<hbm>>
      tpu.enqueue_dma source(%dma_start3A_20 : memref<196x128xf32, #tpu.memory_space<hbm>>) target(%arg7 : memref<196x128xf32, #tpu.memory_space<vmem>>) target_semaphore(%run_scoped3A : memref<!tpu.dma_semaphore, #tpu.memory_space<semaphore_mem>>)
      %dma_wait3A = arith.constant 0 : i32
      %dma_wait3A_21 = arith.constant 0 : i32
      %dma_wait3A_22 = tpu.memref_slice %arg3[%add3A, %dma_wait3A, %dma_wait3A_21] : memref<32x196x128xf32, #tpu.memory_space<hbm>> -> memref<1x196x128xf32, #tpu.memory_space<hbm>>
      %dma_wait3A_23 = tpu.memref_squeeze %dma_wait3A_22 : memref<1x196x128xf32, #tpu.memory_space<hbm>> -> memref<196x128xf32, #tpu.memory_space<hbm>>
      %dma_wait3A_24 = arith.constant 0 : i32
      %dma_wait3A_25 = arith.constant 0 : i32
      %dma_wait3A_26 = tpu.memref_slice %arg3[%add3A, %dma_wait3A_24, %dma_wait3A_25] : memref<32x196x128xf32, #tpu.memory_space<hbm>> -> memref<1x196x128xf32, #tpu.memory_space<hbm>>
      %dma_wait3A_27 = tpu.memref_squeeze %dma_wait3A_26 : memref<1x196x128xf32, #tpu.memory_space<hbm>> -> memref<196x128xf32, #tpu.memory_space<hbm>>
      tpu.wait_dma2 semaphore(%run_scoped3A : memref<!tpu.dma_semaphore, #tpu.memory_space<semaphore_mem>>) src(%dma_wait3A_27 : memref<196x128xf32, #tpu.memory_space<hbm>>) dst(%arg7 : memref<196x128xf32, #tpu.memory_space<vmem>>)
      tpu.yield
    }) : () -> ()
    %barrier3A = arith.constant 0 : index
    tpu.barrier barrier_id(%barrier3A)
    %scan3A = arith.constant 0 : i32
    %scan3A_3 = arith.constant 0 : i32
    %scan3A_4 = arith.constant 196 : i32
    %scan3A_5 = arith.addi %scan3A_3, %scan3A_4 : i32
    %scan3A_6 = arith.constant 1 : i32
    scf.for %scan3A_14 = %scan3A_3 to %scan3A_5 step %scan3A_6  : i32 {
      "tpu.region"() ({
        %run_scoped3A = tpu.sem_alloc : memref<!tpu.dma_semaphore, #tpu.memory_space<semaphore_mem>>
        %dma_start3A = arith.constant 0 : i32
        %dma_start3A_15 = tpu.memref_slice %arg7[%scan3A_14, %dma_start3A] : memref<196x128xf32, #tpu.memory_space<vmem>> -> memref<1x128xf32, #tpu.memory_space<vmem>>
        %dma_start3A_16 = tpu.memref_squeeze %dma_start3A_15 : memref<1x128xf32, #tpu.memory_space<vmem>> -> memref<128xf32, #tpu.memory_space<vmem>>
        %dma_start3A_17 = arith.constant 0 : i32
        %dma_start3A_18 = tpu.memref_slice %arg6[%scan3A_14, %dma_start3A_17] : memref<196x128xi32, #tpu.memory_space<vmem>> -> memref<1x128xi32, #tpu.memory_space<vmem>>
        %dma_start3A_19 = tpu.memref_squeeze %dma_start3A_18 : memref<1x128xi32, #tpu.memory_space<vmem>> -> memref<128xi32, #tpu.memory_space<vmem>>
        %dma_start3A_20 = arith.constant 0 : i32
        %dma_start3A_21 = tpu.memref_slice %arg8[%dma_start3A_20] : memref<200000xf32, #tpu.memory_space<vmem_shared>> -> memref<200000xf32, #tpu.memory_space<vmem_shared>>
        tpu.enqueue_indirect_dma source(%dma_start3A_16 : memref<128xf32, #tpu.memory_space<vmem>>) target(%dma_start3A_21 : memref<200000xf32, #tpu.memory_space<vmem_shared>>) offsets(%dma_start3A_19 : memref<128xi32, #tpu.memory_space<vmem>>) semaphore(%run_scoped3A : memref<!tpu.dma_semaphore, #tpu.memory_space<semaphore_mem>>) {add = true}
        %dma_wait3A = arith.constant 0 : i32
        %dma_wait3A_22 = tpu.memref_slice %arg7[%scan3A_14, %dma_wait3A] : memref<196x128xf32, #tpu.memory_space<vmem>> -> memref<1x128xf32, #tpu.memory_space<vmem>>
        %dma_wait3A_23 = tpu.memref_squeeze %dma_wait3A_22 : memref<1x128xf32, #tpu.memory_space<vmem>> -> memref<128xf32, #tpu.memory_space<vmem>>
        %dma_wait3A_24 = arith.constant 0 : i32
        %dma_wait3A_25 = tpu.memref_slice %arg6[%scan3A_14, %dma_wait3A_24] : memref<196x128xi32, #tpu.memory_space<vmem>> -> memref<1x128xi32, #tpu.memory_space<vmem>>
        %dma_wait3A_26 = tpu.memref_squeeze %dma_wait3A_25 : memref<1x128xi32, #tpu.memory_space<vmem>> -> memref<128xi32, #tpu.memory_space<vmem>>
        %dma_wait3A_27 = arith.constant 0 : i32
        %dma_wait3A_28 = tpu.memref_slice %arg8[%dma_wait3A_27] : memref<200000xf32, #tpu.memory_space<vmem_shared>> -> memref<200000xf32, #tpu.memory_space<vmem_shared>>
        tpu.wait_indirect_dma semaphore(%run_scoped3A : memref<!tpu.dma_semaphore, #tpu.memory_space<semaphore_mem>>) src(%dma_wait3A_23 : memref<128xf32, #tpu.memory_space<vmem>>) dst(%dma_wait3A_28 : memref<200000xf32, #tpu.memory_space<vmem_shared>>)
        tpu.yield
      }) : () -> ()
    }
    %scan3A_7 = arith.constant 196 : i32
    %barrier3A_8 = arith.constant 0 : index
    tpu.barrier barrier_id(%barrier3A_8)
    %lt3A_9 = arith.constant 8 : i32
    %lt3A_10 = arith.cmpi slt, %arg1, %lt3A_9 : i32
    %convert_element_type3A_11 = arith.extui %lt3A_10 : i1 to i32
    %cond3A_12 = arith.constant 0 : i32
    %cond3A_13 = arith.cmpi ne, %convert_element_type3A_11, %cond3A_12 : i32
    scf.if %cond3A_13 {
      %mul3A_14 = arith.constant 25000 : i32
      %mul3A_15 = arith.muli %arg1, %mul3A_14 : i32
      %mul3A_16 = arith.constant 25000 : i32
      %mul3A_17 = arith.muli %arg1, %mul3A_16 : i32
      "tpu.region"() ({
        %run_scoped3A = tpu.sem_alloc : memref<!tpu.dma_semaphore, #tpu.memory_space<semaphore_mem>>
        %dma_start3A = tpu.memref_slice %arg5[%arg0, %mul3A_17] : memref<2x200000xf32, #tpu.memory_space<hbm>> -> memref<1x25000xf32, #tpu.memory_space<hbm>>
        %dma_start3A_18 = tpu.memref_squeeze %dma_start3A : memref<1x25000xf32, #tpu.memory_space<hbm>> -> memref<25000xf32, #tpu.memory_space<hbm>>
        %dma_start3A_19 = tpu.memref_slice %arg8[%mul3A_15] : memref<200000xf32, #tpu.memory_space<vmem_shared>> -> memref<25000xf32, #tpu.memory_space<vmem_shared>>
        tpu.enqueue_dma source(%dma_start3A_19 : memref<25000xf32, #tpu.memory_space<vmem_shared>>) target(%dma_start3A_18 : memref<25000xf32, #tpu.memory_space<hbm>>) target_semaphore(%run_scoped3A : memref<!tpu.dma_semaphore, #tpu.memory_space<semaphore_mem>>)
        %dma_wait3A = tpu.memref_slice %arg5[%arg0, %mul3A_17] : memref<2x200000xf32, #tpu.memory_space<hbm>> -> memref<1x25000xf32, #tpu.memory_space<hbm>>
        %dma_wait3A_20 = tpu.memref_squeeze %dma_wait3A : memref<1x25000xf32, #tpu.memory_space<hbm>> -> memref<25000xf32, #tpu.memory_space<hbm>>
        %dma_wait3A_21 = tpu.memref_slice %arg8[%mul3A_15] : memref<200000xf32, #tpu.memory_space<vmem_shared>> -> memref<25000xf32, #tpu.memory_space<vmem_shared>>
        tpu.wait_dma2 semaphore(%run_scoped3A : memref<!tpu.dma_semaphore, #tpu.memory_space<semaphore_mem>>) src(%dma_wait3A_21 : memref<25000xf32, #tpu.memory_space<vmem_shared>>) dst(%dma_wait3A_20 : memref<25000xf32, #tpu.memory_space<hbm>>)
        tpu.yield
      }) : () -> ()
    } else {
    }
    return
  }
}

#map = affine_map<(d0, d1) -> (0, 0)>
#map1 = affine_map<(d0, d1) -> (0, 0, 0)>
#map2 = affine_map<(d0, d1) -> (0, 0, 0, 0)>
module attributes {stable_mosaic.version = 14 : i64} {
  func.func @_sc_gather(%arg0: i32, %arg1: i32, %arg2: memref<100000x2xf32, #tpu.memory_space<hbm>>, %arg3: memref<32x98x128xi32, #tpu.memory_space<hbm>>, %arg4: memref<32x98x128x2xf32, #tpu.memory_space<hbm>>, %arg5: memref<98x128xi32, #tpu.memory_space<vmem>>, %arg6: memref<98x128x2xf32, #tpu.memory_space<vmem>>, %arg7: memref<!tpu.dma_semaphore, #tpu.memory_space<semaphore_mem>>) attributes {dimension_semantics = [#tpu.dimension_semantics<core_parallel>, #tpu.dimension_semantics<subcore_parallel>], iteration_bounds = array<i64: 2, 16>, scalar_prefetch = 0 : i64, scratch_operands = 3 : i64, tpu.core_type = #tpu.core_type<sc_vector_subcore>, window_params = [{transform_indices = #map}, {transform_indices = #map1}, {transform_indices = #map2}]} {
    %mul3A = arith.constant 2 : i32
    %mul3A_0 = arith.muli %arg1, %mul3A : i32
    %add3A = arith.addi %mul3A_0, %arg0 : i32
    "tpu.region"() ({
      %run_scoped3A = tpu.sem_alloc : memref<!tpu.dma_semaphore, #tpu.memory_space<semaphore_mem>>
      %dma_start3A = arith.constant 0 : i32
      %dma_start3A_6 = arith.constant 0 : i32
      %dma_start3A_7 = tpu.memref_slice %arg3[%add3A, %dma_start3A, %dma_start3A_6] : memref<32x98x128xi32, #tpu.memory_space<hbm>> -> memref<1x98x128xi32, #tpu.memory_space<hbm>>
      %dma_start3A_8 = tpu.memref_squeeze %dma_start3A_7 : memref<1x98x128xi32, #tpu.memory_space<hbm>> -> memref<98x128xi32, #tpu.memory_space<hbm>>
      %dma_start3A_9 = arith.constant 0 : i32
      %dma_start3A_10 = arith.constant 0 : i32
      %dma_start3A_11 = tpu.memref_slice %arg3[%add3A, %dma_start3A_9, %dma_start3A_10] : memref<32x98x128xi32, #tpu.memory_space<hbm>> -> memref<1x98x128xi32, #tpu.memory_space<hbm>>
      %dma_start3A_12 = tpu.memref_squeeze %dma_start3A_11 : memref<1x98x128xi32, #tpu.memory_space<hbm>> -> memref<98x128xi32, #tpu.memory_space<hbm>>
      tpu.enqueue_dma source(%dma_start3A_12 : memref<98x128xi32, #tpu.memory_space<hbm>>) target(%arg5 : memref<98x128xi32, #tpu.memory_space<vmem>>) target_semaphore(%run_scoped3A : memref<!tpu.dma_semaphore, #tpu.memory_space<semaphore_mem>>)
      %dma_wait3A = arith.constant 0 : i32
      %dma_wait3A_13 = arith.constant 0 : i32
      %dma_wait3A_14 = tpu.memref_slice %arg3[%add3A, %dma_wait3A, %dma_wait3A_13] : memref<32x98x128xi32, #tpu.memory_space<hbm>> -> memref<1x98x128xi32, #tpu.memory_space<hbm>>
      %dma_wait3A_15 = tpu.memref_squeeze %dma_wait3A_14 : memref<1x98x128xi32, #tpu.memory_space<hbm>> -> memref<98x128xi32, #tpu.memory_space<hbm>>
      %dma_wait3A_16 = arith.constant 0 : i32
      %dma_wait3A_17 = arith.constant 0 : i32
      %dma_wait3A_18 = tpu.memref_slice %arg3[%add3A, %dma_wait3A_16, %dma_wait3A_17] : memref<32x98x128xi32, #tpu.memory_space<hbm>> -> memref<1x98x128xi32, #tpu.memory_space<hbm>>
      %dma_wait3A_19 = tpu.memref_squeeze %dma_wait3A_18 : memref<1x98x128xi32, #tpu.memory_space<hbm>> -> memref<98x128xi32, #tpu.memory_space<hbm>>
      tpu.wait_dma2 semaphore(%run_scoped3A : memref<!tpu.dma_semaphore, #tpu.memory_space<semaphore_mem>>) src(%dma_wait3A_19 : memref<98x128xi32, #tpu.memory_space<hbm>>) dst(%arg5 : memref<98x128xi32, #tpu.memory_space<vmem>>)
      tpu.yield
    }) : () -> ()
    %scan3A = arith.constant 0 : i32
    %scan3A_1 = arith.constant 0 : i32
    %scan3A_2 = arith.constant 98 : i32
    %scan3A_3 = arith.addi %scan3A_1, %scan3A_2 : i32
    %scan3A_4 = arith.constant 1 : i32
    scf.for %scan3A_6 = %scan3A_1 to %scan3A_3 step %scan3A_4  : i32 {
      %dma_start3A = arith.constant 0 : i32
      %dma_start3A_7 = arith.constant 0 : i32
      %dma_start3A_8 = tpu.memref_slice %arg6[%scan3A_6, %dma_start3A, %dma_start3A_7] : memref<98x128x2xf32, #tpu.memory_space<vmem>> -> memref<1x128x2xf32, #tpu.memory_space<vmem>>
      %dma_start3A_9 = tpu.memref_squeeze %dma_start3A_8 : memref<1x128x2xf32, #tpu.memory_space<vmem>> -> memref<128x2xf32, #tpu.memory_space<vmem>>
      %dma_start3A_10 = arith.constant 0 : i32
      %dma_start3A_11 = tpu.memref_slice %arg5[%scan3A_6, %dma_start3A_10] : memref<98x128xi32, #tpu.memory_space<vmem>> -> memref<1x128xi32, #tpu.memory_space<vmem>>
      %dma_start3A_12 = tpu.memref_squeeze %dma_start3A_11 : memref<1x128xi32, #tpu.memory_space<vmem>> -> memref<128xi32, #tpu.memory_space<vmem>>
      %dma_start3A_13 = arith.constant 0 : i32
      %dma_start3A_14 = arith.constant 0 : i32
      %dma_start3A_15 = tpu.memref_slice %arg2[%dma_start3A_13, %dma_start3A_14] : memref<100000x2xf32, #tpu.memory_space<hbm>> -> memref<100000x2xf32, #tpu.memory_space<hbm>>
      tpu.enqueue_indirect_dma source(%dma_start3A_15 : memref<100000x2xf32, #tpu.memory_space<hbm>>) target(%dma_start3A_9 : memref<128x2xf32, #tpu.memory_space<vmem>>) offsets(%dma_start3A_12 : memref<128xi32, #tpu.memory_space<vmem>>) semaphore(%arg7 : memref<!tpu.dma_semaphore, #tpu.memory_space<semaphore_mem>>)
      %dma_wait3A = arith.constant 0 : i32
      %dma_wait3A_16 = arith.constant 0 : i32
      %dma_wait3A_17 = tpu.memref_slice %arg6[%scan3A_6, %dma_wait3A, %dma_wait3A_16] : memref<98x128x2xf32, #tpu.memory_space<vmem>> -> memref<1x128x2xf32, #tpu.memory_space<vmem>>
      %dma_wait3A_18 = tpu.memref_squeeze %dma_wait3A_17 : memref<1x128x2xf32, #tpu.memory_space<vmem>> -> memref<128x2xf32, #tpu.memory_space<vmem>>
      %dma_wait3A_19 = arith.constant 0 : i32
      %dma_wait3A_20 = tpu.memref_slice %arg5[%scan3A_6, %dma_wait3A_19] : memref<98x128xi32, #tpu.memory_space<vmem>> -> memref<1x128xi32, #tpu.memory_space<vmem>>
      %dma_wait3A_21 = tpu.memref_squeeze %dma_wait3A_20 : memref<1x128xi32, #tpu.memory_space<vmem>> -> memref<128xi32, #tpu.memory_space<vmem>>
      %dma_wait3A_22 = arith.constant 0 : i32
      %dma_wait3A_23 = arith.constant 0 : i32
      %dma_wait3A_24 = tpu.memref_slice %arg2[%dma_wait3A_22, %dma_wait3A_23] : memref<100000x2xf32, #tpu.memory_space<hbm>> -> memref<100000x2xf32, #tpu.memory_space<hbm>>
      tpu.wait_indirect_dma semaphore(%arg7 : memref<!tpu.dma_semaphore, #tpu.memory_space<semaphore_mem>>) src(%dma_wait3A_24 : memref<100000x2xf32, #tpu.memory_space<hbm>>) dst(%dma_wait3A_18 : memref<128x2xf32, #tpu.memory_space<vmem>>)
    }
    %scan3A_5 = arith.constant 98 : i32
    "tpu.region"() ({
      %run_scoped3A = tpu.sem_alloc : memref<!tpu.dma_semaphore, #tpu.memory_space<semaphore_mem>>
      %dma_start3A = arith.constant 0 : i32
      %dma_start3A_6 = arith.constant 0 : i32
      %dma_start3A_7 = arith.constant 0 : i32
      %dma_start3A_8 = tpu.memref_slice %arg4[%add3A, %dma_start3A, %dma_start3A_6, %dma_start3A_7] : memref<32x98x128x2xf32, #tpu.memory_space<hbm>> -> memref<1x98x128x2xf32, #tpu.memory_space<hbm>>
      %dma_start3A_9 = tpu.memref_squeeze %dma_start3A_8 : memref<1x98x128x2xf32, #tpu.memory_space<hbm>> -> memref<98x128x2xf32, #tpu.memory_space<hbm>>
      %dma_start3A_10 = arith.constant 0 : i32
      %dma_start3A_11 = arith.constant 0 : i32
      %dma_start3A_12 = arith.constant 0 : i32
      %dma_start3A_13 = tpu.memref_slice %arg4[%add3A, %dma_start3A_10, %dma_start3A_11, %dma_start3A_12] : memref<32x98x128x2xf32, #tpu.memory_space<hbm>> -> memref<1x98x128x2xf32, #tpu.memory_space<hbm>>
      %dma_start3A_14 = tpu.memref_squeeze %dma_start3A_13 : memref<1x98x128x2xf32, #tpu.memory_space<hbm>> -> memref<98x128x2xf32, #tpu.memory_space<hbm>>
      tpu.enqueue_dma source(%arg6 : memref<98x128x2xf32, #tpu.memory_space<vmem>>) target(%dma_start3A_14 : memref<98x128x2xf32, #tpu.memory_space<hbm>>) target_semaphore(%run_scoped3A : memref<!tpu.dma_semaphore, #tpu.memory_space<semaphore_mem>>)
      %dma_wait3A = arith.constant 0 : i32
      %dma_wait3A_15 = arith.constant 0 : i32
      %dma_wait3A_16 = arith.constant 0 : i32
      %dma_wait3A_17 = tpu.memref_slice %arg4[%add3A, %dma_wait3A, %dma_wait3A_15, %dma_wait3A_16] : memref<32x98x128x2xf32, #tpu.memory_space<hbm>> -> memref<1x98x128x2xf32, #tpu.memory_space<hbm>>
      %dma_wait3A_18 = tpu.memref_squeeze %dma_wait3A_17 : memref<1x98x128x2xf32, #tpu.memory_space<hbm>> -> memref<98x128x2xf32, #tpu.memory_space<hbm>>
      %dma_wait3A_19 = arith.constant 0 : i32
      %dma_wait3A_20 = arith.constant 0 : i32
      %dma_wait3A_21 = arith.constant 0 : i32
      %dma_wait3A_22 = tpu.memref_slice %arg4[%add3A, %dma_wait3A_19, %dma_wait3A_20, %dma_wait3A_21] : memref<32x98x128x2xf32, #tpu.memory_space<hbm>> -> memref<1x98x128x2xf32, #tpu.memory_space<hbm>>
      %dma_wait3A_23 = tpu.memref_squeeze %dma_wait3A_22 : memref<1x98x128x2xf32, #tpu.memory_space<hbm>> -> memref<98x128x2xf32, #tpu.memory_space<hbm>>
      tpu.wait_dma2 semaphore(%run_scoped3A : memref<!tpu.dma_semaphore, #tpu.memory_space<semaphore_mem>>) src(%arg6 : memref<98x128x2xf32, #tpu.memory_space<vmem>>) dst(%dma_wait3A_23 : memref<98x128x2xf32, #tpu.memory_space<hbm>>)
      tpu.yield
    }) : () -> ()
    return
  }
}

module attributes {stable_mosaic.version = 14 : i64} {
  func.func @_mul_body(%arg0: memref<400x500xf32, #tpu.memory_space<vmem>>, %arg1: memref<400x500xf32, #tpu.memory_space<vmem>>, %arg2: memref<400x500xf32, #tpu.memory_space<vmem>>) attributes {dimension_semantics = [], scalar_prefetch = 0 : i64, scratch_operands = 0 : i64, tpu.core_type = #tpu.core_type<tc>} {
    %get3A = arith.constant 0 : index
    %get3A_0 = arith.constant 0 : index
    %get3A_1 = vector.load %arg0[%get3A, %get3A_0] : memref<400x500xf32, #tpu.memory_space<vmem>>, vector<400x500xf32>
    %get3A_2 = arith.constant 0 : index
    %get3A_3 = arith.constant 0 : index
    %get3A_4 = vector.load %arg1[%get3A_2, %get3A_3] : memref<400x500xf32, #tpu.memory_space<vmem>>, vector<400x500xf32>
    %mul3A = arith.mulf %get3A_1, %get3A_4 : vector<400x500xf32>
    %swap3A = arith.constant 0 : index
    %swap3A_5 = arith.constant 0 : index
    %swap3A_6 = vector.load %arg2[%swap3A, %swap3A_5] : memref<400x500xf32, #tpu.memory_space<vmem>>, vector<400x500xf32>
    tpu.vector_store %arg2[%swap3A, %swap3A_5], %mul3A {strides = array<i32>} : memref<400x500xf32, #tpu.memory_space<vmem>>, vector<400x500xf32>,
    return
  }
}

module attributes {stable_mosaic.version = 14 : i64} {
  func.func @_dense_body(%arg0: i32, %arg1: memref<2000x96xf32, #tpu.memory_space<vmem>>, %arg2: memref<2000x8xf32, #tpu.memory_space<vmem>>, %arg3: memref<2000x4xf32, #tpu.memory_space<vmem>>, %arg4: memref<1x4xf32, #tpu.memory_space<vmem>>, %arg5: memref<8x128xf32, #tpu.memory_space<vmem>>, %arg6: memref<1x128xf32, #tpu.memory_space<vmem>>, %arg7: memref<128x8xf32, #tpu.memory_space<vmem>>, %arg8: memref<1x8xf32, #tpu.memory_space<vmem>>, %arg9: memref<1x2xf32, #tpu.memory_space<vmem>>, %arg10: memref<1x2xf32, #tpu.memory_space<vmem>>, %arg11: memref<1x2xf32, #tpu.memory_space<vmem>>, %arg12: memref<1x2xf32, #tpu.memory_space<vmem>>, %arg13: memref<8x96xf32, #tpu.memory_space<vmem>>, %arg14: memref<96x12xf32, #tpu.memory_space<vmem>>, %arg15: memref<12x12xf32, #tpu.memory_space<vmem>>, %arg16: memref<4x8xf32, #tpu.memory_space<vmem>>, %arg17: memref<4x8xf32, #tpu.memory_space<vmem>>, %arg18: memref<8x4xf32, #tpu.memory_space<vmem>>, %arg19: memref<8x4xf32, #tpu.memory_space<vmem>>, %arg20: memref<12x96xf32, #tpu.memory_space<vmem>>, %arg21: memref<96x8xf32, #tpu.memory_space<vmem>>, %arg22: memref<2000x8xf32, #tpu.memory_space<vmem>>) attributes {dimension_semantics = [#tpu.dimension_semantics<arbitrary>], iteration_bounds = array<i64: 50>, scalar_prefetch = 0 : i64, scratch_operands = 0 : i64, tpu.core_type = #tpu.core_type<tc>, window_params = [{transform_indices = @transform_0, window_bounds = array<i64: 2000, 96>}, {transform_indices = @transform_1, window_bounds = array<i64: 2000, 8>}, {transform_indices = @transform_2, window_bounds = array<i64: 2000, 4>}, {pipeline_mode = #tpu.pipeline_mode<synchronous>, transform_indices = @transform_3, window_bounds = array<i64: 1, 4>}, {pipeline_mode = #tpu.pipeline_mode<synchronous>, transform_indices = @transform_4, window_bounds = array<i64: 8, 128>}, {pipeline_mode = #tpu.pipeline_mode<synchronous>, transform_indices = @transform_5, window_bounds = array<i64: 1, 128>}, {pipeline_mode = #tpu.pipeline_mode<synchronous>, transform_indices = @transform_6, window_bounds = array<i64: 128, 8>}, {pipeline_mode = #tpu.pipeline_mode<synchronous>, transform_indices = @transform_7, window_bounds = array<i64: 1, 8>}, {pipeline_mode = #tpu.pipeline_mode<synchronous>, transform_indices = @transform_8, window_bounds = array<i64: 1, 2>}, {pipeline_mode = #tpu.pipeline_mode<synchronous>, transform_indices = @transform_9, window_bounds = array<i64: 1, 2>}, {pipeline_mode = #tpu.pipeline_mode<synchronous>, transform_indices = @transform_10, window_bounds = array<i64: 1, 2>}, {pipeline_mode = #tpu.pipeline_mode<synchronous>, transform_indices = @transform_11, window_bounds = array<i64: 1, 2>}, {pipeline_mode = #tpu.pipeline_mode<synchronous>, transform_indices = @transform_12, window_bounds = array<i64: 8, 96>}, {pipeline_mode = #tpu.pipeline_mode<synchronous>, transform_indices = @transform_13, window_bounds = array<i64: 96, 12>}, {pipeline_mode = #tpu.pipeline_mode<synchronous>, transform_indices = @transform_14, window_bounds = array<i64: 12, 12>}, {pipeline_mode = #tpu.pipeline_mode<synchronous>, transform_indices = @transform_15, window_bounds = array<i64: 4, 8>}, {pipeline_mode = #tpu.pipeline_mode<synchronous>, transform_indices = @transform_16, window_bounds = array<i64: 4, 8>}, {pipeline_mode = #tpu.pipeline_mode<synchronous>, transform_indices = @transform_17, window_bounds = array<i64: 8, 4>}, {pipeline_mode = #tpu.pipeline_mode<synchronous>, transform_indices = @transform_18, window_bounds = array<i64: 8, 4>}, {pipeline_mode = #tpu.pipeline_mode<synchronous>, transform_indices = @transform_19, window_bounds = array<i64: 12, 96>}, {pipeline_mode = #tpu.pipeline_mode<synchronous>, transform_indices = @transform_20, window_bounds = array<i64: 96, 8>}, {transform_indices = @transform_21, window_bounds = array<i64: 2000, 8>}]} {
    %get3A = arith.constant 0 : index
    %get3A_0 = arith.constant 0 : index
    %get3A_1 = vector.load %arg1[%get3A, %get3A_0] : memref<2000x96xf32, #tpu.memory_space<vmem>>, vector<2000x96xf32>
    %get3A_2 = arith.constant 0 : index
    %get3A_3 = arith.constant 0 : index
    %get3A_4 = vector.load %arg2[%get3A_2, %get3A_3] : memref<2000x8xf32, #tpu.memory_space<vmem>>, vector<2000x8xf32>
    %get3A_5 = arith.constant 0 : index
    %get3A_6 = arith.constant 0 : index
    %get3A_7 = vector.load %arg13[%get3A_5, %get3A_6] : memref<8x96xf32, #tpu.memory_space<vmem>>, vector<8x96xf32>
    %dot_general3A = arith.constant dense<0.000000e+00> : vector<2000x96xf32>
    %dot_general3A_8 = tpu.matmul %get3A_4, %get3A_7, %dot_general3A {dimension_numbers = #tpu.dot_dimension_numbers<[1], [0], [0], [1], [0, 0, 1, 1], [], []>, transpose_lhs_hint = false} : vector<2000x8xf32>, vector<8x96xf32>, vector<2000x96xf32> -> vector<2000x96xf32>
    %mul3A = arith.mulf %get3A_1, %dot_general3A_8 : vector<2000x96xf32>
    %get3A_9 = arith.constant 0 : index
    %get3A_10 = arith.constant 0 : index
    %get3A_11 = vector.load %arg14[%get3A_9, %get3A_10] : memref<96x12xf32, #tpu.memory_space<vmem>>, vector<96x12xf32>
    %dot_general3A_12 = arith.constant dense<0.000000e+00> : vector<2000x12xf32>
    %dot_general3A_13 = tpu.matmul %mul3A, %get3A_11, %dot_general3A_12 {dimension_numbers = #tpu.dot_dimension_numbers<[1], [0], [0], [1], [0, 0, 1, 1], [], []>, transpose_lhs_hint = false} : vector<2000x96xf32>, vector<96x12xf32>, vector<2000x12xf32> -> vector<2000x12xf32>
    %get3A_14 = arith.constant 0 : index
    %get3A_15 = arith.constant 0 : index
    %get3A_16 = vector.load %arg15[%get3A_14, %get3A_15] : memref<12x12xf32, #tpu.memory_space<vmem>>, vector<12x12xf32>
    %dot_general3A_17 = arith.constant dense<0.000000e+00> : vector<2000x12xf32>
    %dot_general3A_18 = tpu.matmul %dot_general3A_13, %get3A_16, %dot_general3A_17 {dimension_numbers = #tpu.dot_dimension_numbers<[1], [0], [0], [1], [0, 0, 1, 1], [], []>, transpose_lhs_hint = false} : vector<2000x12xf32>, vector<12x12xf32>, vector<2000x12xf32> -> vector<2000x12xf32>
    %slice3A = vector.extract_strided_slice %dot_general3A_18 {offsets = [0, 0], sizes = [2000, 4], strides = [1, 1]} : vector<2000x12xf32> to vector<2000x4xf32>
    %slice3A_19 = vector.extract_strided_slice %dot_general3A_18 {offsets = [0, 4], sizes = [2000, 4], strides = [1, 1]} : vector<2000x12xf32> to vector<2000x4xf32>
    %slice3A_20 = vector.extract_strided_slice %dot_general3A_18 {offsets = [0, 8], sizes = [2000, 4], strides = [1, 1]} : vector<2000x12xf32> to vector<2000x4xf32>
    %add3A = arith.addf %slice3A, %slice3A_19 : vector<2000x4xf32>
    %mul3A_21 = arith.constant 0.333333343 : f32
    %mul3A_22 = vector.broadcast %mul3A_21 : f32 to vector<2000x4xf32>
    %mul3A_23 = arith.mulf %add3A, %mul3A_22 : vector<2000x4xf32>
    %sub3A = arith.subf %slice3A, %mul3A_23 : vector<2000x4xf32>
    %mul3A_24 = arith.constant 0.333333343 : f32
    %mul3A_25 = vector.broadcast %mul3A_24 : f32 to vector<2000x4xf32>
    %mul3A_26 = arith.mulf %add3A, %mul3A_25 : vector<2000x4xf32>
    %sub3A_27 = arith.subf %slice3A_19, %mul3A_26 : vector<2000x4xf32>
    %mul3A_28 = arith.constant 5.000000e-01 : f32
    %mul3A_29 = vector.broadcast %mul3A_28 : f32 to vector<2000x4xf32>
    %mul3A_30 = arith.mulf %slice3A_20, %mul3A_29 : vector<2000x4xf32>
    %neg3A = arith.constant 0.000000e+00 : f32
    %neg3A_31 = vector.broadcast %neg3A : f32 to vector<2000x4xf32>
    %neg3A_32 = arith.subf %neg3A_31, %add3A : vector<2000x4xf32>
    %mul3A_33 = arith.constant 0.333333343 : f32
    %mul3A_34 = vector.broadcast %mul3A_33 : f32 to vector<2000x4xf32>
    %mul3A_35 = arith.mulf %neg3A_32, %mul3A_34 : vector<2000x4xf32>
    %mul3A_36 = arith.mulf %sub3A, %sub3A : vector<2000x4xf32>
    %mul3A_37 = arith.mulf %sub3A_27, %sub3A_27 : vector<2000x4xf32>
    %add3A_38 = arith.addf %mul3A_36, %mul3A_37 : vector<2000x4xf32>
    %mul3A_39 = arith.mulf %mul3A_35, %mul3A_35 : vector<2000x4xf32>
    %add3A_40 = arith.addf %add3A_38, %mul3A_39 : vector<2000x4xf32>
    %mul3A_41 = arith.constant 2.000000e+00 : f32
    %mul3A_42 = vector.broadcast %mul3A_41 : f32 to vector<2000x4xf32>
    %mul3A_43 = arith.mulf %mul3A_42, %mul3A_30 : vector<2000x4xf32>
    %mul3A_44 = arith.mulf %mul3A_43, %mul3A_30 : vector<2000x4xf32>
    %add3A_45 = arith.addf %add3A_40, %mul3A_44 : vector<2000x4xf32>
    %sqrt3A = math.sqrt %add3A_45 : vector<2000x4xf32>
    %mul3A_46 = arith.constant 0.816496611 : f32
    %mul3A_47 = vector.broadcast %mul3A_46 : f32 to vector<2000x4xf32>
    %mul3A_48 = arith.mulf %sqrt3A, %mul3A_47 : vector<2000x4xf32>
    %get3A_49 = arith.constant 0 : index
    %get3A_50 = arith.constant 0 : index
    %get3A_51 = vector.load %arg9[%get3A_49, %get3A_50] : memref<1x2xf32, #tpu.memory_space<vmem>>, vector<1x1xf32>
    %get3A_52 = vector.extract %get3A_51[0, 0] : f32 from vector<1x1xf32>
    %mul3A_53 = vector.broadcast %get3A_52 : f32 to vector<2000x4xf32>
    %mul3A_54 = arith.mulf %add3A, %mul3A_53 : vector<2000x4xf32>
    %get3A_55 = arith.constant 0 : index
    %get3A_56 = arith.constant 0 : index
    %get3A_57 = vector.load %arg10[%get3A_55, %get3A_56] : memref<1x2xf32, #tpu.memory_space<vmem>>, vector<1x1xf32>
    %get3A_58 = vector.extract %get3A_57[0, 0] : f32 from vector<1x1xf32>
    %add3A_59 = vector.broadcast %get3A_58 : f32 to vector<2000x4xf32>
    %add3A_60 = arith.addf %mul3A_54, %add3A_59 : vector<2000x4xf32>
    %get3A_61 = arith.constant 0 : index
    %get3A_62 = arith.constant 1 : index
    %get3A_63 = vector.load %arg9[%get3A_61, %get3A_62] : memref<1x2xf32, #tpu.memory_space<vmem>>, vector<1x1xf32>
    %get3A_64 = vector.extract %get3A_63[0, 0] : f32 from vector<1x1xf32>
    %mul3A_65 = vector.broadcast %get3A_64 : f32 to vector<2000x4xf32>
    %mul3A_66 = arith.mulf %mul3A_48, %mul3A_65 : vector<2000x4xf32>
    %get3A_67 = arith.constant 0 : index
    %get3A_68 = arith.constant 1 : index
    %get3A_69 = vector.load %arg10[%get3A_67, %get3A_68] : memref<1x2xf32, #tpu.memory_space<vmem>>, vector<1x1xf32>
    %get3A_70 = vector.extract %get3A_69[0, 0] : f32 from vector<1x1xf32>
    %add3A_71 = vector.broadcast %get3A_70 : f32 to vector<2000x4xf32>
    %add3A_72 = arith.addf %mul3A_66, %add3A_71 : vector<2000x4xf32>
    %get3A_73 = arith.constant 0 : index
    %get3A_74 = arith.constant 0 : index
    %get3A_75 = vector.load %arg16[%get3A_73, %get3A_74] : memref<4x8xf32, #tpu.memory_space<vmem>>, vector<4x8xf32>
    %dot_general3A_76 = arith.constant dense<0.000000e+00> : vector<2000x8xf32>
    %dot_general3A_77 = tpu.matmul %add3A_60, %get3A_75, %dot_general3A_76 {dimension_numbers = #tpu.dot_dimension_numbers<[1], [0], [0], [1], [0, 0, 1, 1], [], []>, transpose_lhs_hint = false} : vector<2000x4xf32>, vector<4x8xf32>, vector<2000x8xf32> -> vector<2000x8xf32>
    %get3A_78 = arith.constant 0 : index
    %get3A_79 = arith.constant 0 : index
    %get3A_80 = vector.load %arg17[%get3A_78, %get3A_79] : memref<4x8xf32, #tpu.memory_space<vmem>>, vector<4x8xf32>
    %dot_general3A_81 = arith.constant dense<0.000000e+00> : vector<2000x8xf32>
    %dot_general3A_82 = tpu.matmul %add3A_72, %get3A_80, %dot_general3A_81 {dimension_numbers = #tpu.dot_dimension_numbers<[1], [0], [0], [1], [0, 0, 1, 1], [], []>, transpose_lhs_hint = false} : vector<2000x4xf32>, vector<4x8xf32>, vector<2000x8xf32> -> vector<2000x8xf32>
    %add3A_83 = arith.addf %dot_general3A_77, %dot_general3A_82 : vector<2000x8xf32>
    %get3A_84 = arith.constant 0 : index
    %get3A_85 = arith.constant 0 : index
    %get3A_86 = vector.load %arg5[%get3A_84, %get3A_85] : memref<8x128xf32, #tpu.memory_space<vmem>>, vector<8x128xf32>
    %dot_general3A_87 = arith.constant dense<0.000000e+00> : vector<2000x128xf32>
    %dot_general3A_88 = tpu.matmul %add3A_83, %get3A_86, %dot_general3A_87 {dimension_numbers = #tpu.dot_dimension_numbers<[1], [0], [0], [1], [0, 0, 1, 1], [], []>, transpose_lhs_hint = false} : vector<2000x8xf32>, vector<8x128xf32>, vector<2000x128xf32> -> vector<2000x128xf32>
    %get3A_89 = arith.constant 0 : index
    %get3A_90 = arith.constant 0 : index
    %get3A_91 = vector.load %arg6[%get3A_89, %get3A_90] : memref<1x128xf32, #tpu.memory_space<vmem>>, vector<1x128xf32>
    %add3A_92 = vector.broadcast %get3A_91 : vector<1x128xf32> to vector<2000x128xf32>
    %add3A_93 = arith.addf %dot_general3A_88, %add3A_92 : vector<2000x128xf32>
    %tanh3A = math.tanh %add3A_93 : vector<2000x128xf32>
    %get3A_94 = arith.constant 0 : index
    %get3A_95 = arith.constant 0 : index
    %get3A_96 = vector.load %arg7[%get3A_94, %get3A_95] : memref<128x8xf32, #tpu.memory_space<vmem>>, vector<128x8xf32>
    %dot_general3A_97 = arith.constant dense<0.000000e+00> : vector<2000x8xf32>
    %dot_general3A_98 = tpu.matmul %tanh3A, %get3A_96, %dot_general3A_97 {dimension_numbers = #tpu.dot_dimension_numbers<[1], [0], [0], [1], [0, 0, 1, 1], [], []>, transpose_lhs_hint = false} : vector<2000x128xf32>, vector<128x8xf32>, vector<2000x8xf32> -> vector<2000x8xf32>
    %get3A_99 = arith.constant 0 : index
    %get3A_100 = arith.constant 0 : index
    %get3A_101 = vector.load %arg8[%get3A_99, %get3A_100] : memref<1x8xf32, #tpu.memory_space<vmem>>, vector<1x8xf32>
    %add3A_102 = vector.broadcast %get3A_101 : vector<1x8xf32> to vector<2000x8xf32>
    %add3A_103 = arith.addf %dot_general3A_98, %add3A_102 : vector<2000x8xf32>
    %get3A_104 = arith.constant 0 : index
    %get3A_105 = arith.constant 0 : index
    %get3A_106 = vector.load %arg18[%get3A_104, %get3A_105] : memref<8x4xf32, #tpu.memory_space<vmem>>, vector<8x4xf32>
    %dot_general3A_107 = arith.constant dense<0.000000e+00> : vector<2000x4xf32>
    %dot_general3A_108 = tpu.matmul %add3A_103, %get3A_106, %dot_general3A_107 {dimension_numbers = #tpu.dot_dimension_numbers<[1], [0], [0], [1], [0, 0, 1, 1], [], []>, transpose_lhs_hint = false} : vector<2000x8xf32>, vector<8x4xf32>, vector<2000x4xf32> -> vector<2000x4xf32>
    %get3A_109 = arith.constant 0 : index
    %get3A_110 = arith.constant 0 : index
    %get3A_111 = vector.load %arg12[%get3A_109, %get3A_110] : memref<1x2xf32, #tpu.memory_space<vmem>>, vector<1x1xf32>
    %get3A_112 = vector.extract %get3A_111[0, 0] : f32 from vector<1x1xf32>
    %sub3A_113 = vector.broadcast %get3A_112 : f32 to vector<2000x4xf32>
    %sub3A_114 = arith.subf %dot_general3A_108, %sub3A_113 : vector<2000x4xf32>
    %get3A_115 = arith.constant 0 : index
    %get3A_116 = arith.constant 0 : index
    %get3A_117 = vector.load %arg11[%get3A_115, %get3A_116] : memref<1x2xf32, #tpu.memory_space<vmem>>, vector<1x1xf32>
    %get3A_118 = vector.extract %get3A_117[0, 0] : f32 from vector<1x1xf32>
    %div3A = vector.broadcast %get3A_118 : f32 to vector<2000x4xf32>
    %div3A_119 = arith.divf %sub3A_114, %div3A : vector<2000x4xf32>
    %get3A_120 = arith.constant 0 : index
    %get3A_121 = arith.constant 0 : index
    %get3A_122 = vector.load %arg19[%get3A_120, %get3A_121] : memref<8x4xf32, #tpu.memory_space<vmem>>, vector<8x4xf32>
    %dot_general3A_123 = arith.constant dense<0.000000e+00> : vector<2000x4xf32>
    %dot_general3A_124 = tpu.matmul %add3A_103, %get3A_122, %dot_general3A_123 {dimension_numbers = #tpu.dot_dimension_numbers<[1], [0], [0], [1], [0, 0, 1, 1], [], []>, transpose_lhs_hint = false} : vector<2000x8xf32>, vector<8x4xf32>, vector<2000x4xf32> -> vector<2000x4xf32>
    %get3A_125 = arith.constant 0 : index
    %get3A_126 = arith.constant 1 : index
    %get3A_127 = vector.load %arg12[%get3A_125, %get3A_126] : memref<1x2xf32, #tpu.memory_space<vmem>>, vector<1x1xf32>
    %get3A_128 = vector.extract %get3A_127[0, 0] : f32 from vector<1x1xf32>
    %sub3A_129 = vector.broadcast %get3A_128 : f32 to vector<2000x4xf32>
    %sub3A_130 = arith.subf %dot_general3A_124, %sub3A_129 : vector<2000x4xf32>
    %get3A_131 = arith.constant 0 : index
    %get3A_132 = arith.constant 1 : index
    %get3A_133 = vector.load %arg11[%get3A_131, %get3A_132] : memref<1x2xf32, #tpu.memory_space<vmem>>, vector<1x1xf32>
    %get3A_134 = vector.extract %get3A_133[0, 0] : f32 from vector<1x1xf32>
    %div3A_135 = vector.broadcast %get3A_134 : f32 to vector<2000x4xf32>
    %div3A_136 = arith.divf %sub3A_130, %div3A_135 : vector<2000x4xf32>
    %mul3A_137 = arith.constant 0.816496611 : f32
    %mul3A_138 = vector.broadcast %mul3A_137 : f32 to vector<2000x4xf32>
    %mul3A_139 = arith.mulf %mul3A_138, %div3A_136 : vector<2000x4xf32>
    %div3A_140 = arith.divf %mul3A_139, %sqrt3A : vector<2000x4xf32>
    %get3A_141 = arith.constant 0 : index
    %get3A_142 = arith.constant 0 : index
    %get3A_143 = vector.load %arg3[%get3A_141, %get3A_142] : memref<2000x4xf32, #tpu.memory_space<vmem>>, vector<2000x4xf32>
    %get3A_144 = arith.constant 0 : index
    %get3A_145 = arith.constant 0 : index
    %get3A_146 = vector.load %arg4[%get3A_144, %get3A_145] : memref<1x4xf32, #tpu.memory_space<vmem>>, vector<1x4xf32>
    %mul3A_147 = vector.broadcast %get3A_146 : vector<1x4xf32> to vector<2000x4xf32>
    %mul3A_148 = arith.mulf %get3A_143, %mul3A_147 : vector<2000x4xf32>
    %mul3A_149 = arith.mulf %div3A_140, %sub3A : vector<2000x4xf32>
    %add3A_150 = arith.addf %div3A_119, %mul3A_149 : vector<2000x4xf32>
    %mul3A_151 = arith.mulf %add3A_150, %mul3A_148 : vector<2000x4xf32>
    %mul3A_152 = arith.mulf %div3A_140, %sub3A_27 : vector<2000x4xf32>
    %add3A_153 = arith.addf %div3A_119, %mul3A_152 : vector<2000x4xf32>
    %mul3A_154 = arith.mulf %add3A_153, %mul3A_148 : vector<2000x4xf32>
    %mul3A_155 = arith.mulf %div3A_140, %mul3A_30 : vector<2000x4xf32>
    %mul3A_156 = arith.mulf %mul3A_155, %mul3A_148 : vector<2000x4xf32>
    %concatenate3A = tpu.concatenate %mul3A_151, %mul3A_154, %mul3A_156 in 1 : vector<2000x4xf32>, vector<2000x4xf32>, vector<2000x4xf32> -> vector<2000x12xf32>
    %get3A_157 = arith.constant 0 : index
    %get3A_158 = arith.constant 0 : index
    %get3A_159 = vector.load %arg20[%get3A_157, %get3A_158] : memref<12x96xf32, #tpu.memory_space<vmem>>, vector<12x96xf32>
    %dot_general3A_160 = arith.constant dense<0.000000e+00> : vector<2000x96xf32>
    %dot_general3A_161 = tpu.matmul %concatenate3A, %get3A_159, %dot_general3A_160 {dimension_numbers = #tpu.dot_dimension_numbers<[1], [0], [0], [1], [0, 0, 1, 1], [], []>, transpose_lhs_hint = false} : vector<2000x12xf32>, vector<12x96xf32>, vector<2000x96xf32> -> vector<2000x96xf32>
    %mul3A_162 = arith.mulf %get3A_1, %dot_general3A_161 : vector<2000x96xf32>
    %get3A_163 = arith.constant 0 : index
    %get3A_164 = arith.constant 0 : index
    %get3A_165 = vector.load %arg21[%get3A_163, %get3A_164] : memref<96x8xf32, #tpu.memory_space<vmem>>, vector<96x8xf32>
    %dot_general3A_166 = arith.constant dense<0.000000e+00> : vector<2000x8xf32>
    %dot_general3A_167 = tpu.matmul %mul3A_162, %get3A_165, %dot_general3A_166 {dimension_numbers = #tpu.dot_dimension_numbers<[1], [0], [0], [1], [0, 0, 1, 1], [], []>, transpose_lhs_hint = false} : vector<2000x96xf32>, vector<96x8xf32>, vector<2000x8xf32> -> vector<2000x8xf32>
    %swap3A = arith.constant 0 : index
    %swap3A_168 = arith.constant 0 : index
    %swap3A_169 = vector.load %arg22[%swap3A, %swap3A_168] : memref<2000x8xf32, #tpu.memory_space<vmem>>, vector<2000x8xf32>
    tpu.vector_store %arg22[%swap3A, %swap3A_168], %dot_general3A_167 {strides = array<i32>} : memref<2000x8xf32, #tpu.memory_space<vmem>>, vector<2000x8xf32>,
    return
  }
  func.func @transform_0(%arg0: i32) -> (i32, i32) {
    %c0_i32 = arith.constant 0 : i32
    %c0_i32_0 = arith.constant 0 : i32
    return %arg0, %c0_i32 : i32, i32
  }
  func.func @transform_1(%arg0: i32) -> (i32, i32) {
    %c0_i32 = arith.constant 0 : i32
    %c0_i32_0 = arith.constant 0 : i32
    return %arg0, %c0_i32 : i32, i32
  }
  func.func @transform_2(%arg0: i32) -> (i32, i32) {
    %c0_i32 = arith.constant 0 : i32
    %c0_i32_0 = arith.constant 0 : i32
    return %arg0, %c0_i32 : i32, i32
  }
  func.func @transform_3(%arg0: i32) -> (i32, i32) {
    %c0_i32 = arith.constant 0 : i32
    %c0_i32_0 = arith.constant 0 : i32
    %c0_i32_1 = arith.constant 0 : i32
    return %c0_i32, %c0_i32_0 : i32, i32
  }
  func.func @transform_4(%arg0: i32) -> (i32, i32) {
    %c0_i32 = arith.constant 0 : i32
    %c0_i32_0 = arith.constant 0 : i32
    %c0_i32_1 = arith.constant 0 : i32
    return %c0_i32, %c0_i32_0 : i32, i32
  }
  func.func @transform_5(%arg0: i32) -> (i32, i32) {
    %c0_i32 = arith.constant 0 : i32
    %c0_i32_0 = arith.constant 0 : i32
    %c0_i32_1 = arith.constant 0 : i32
    return %c0_i32, %c0_i32_0 : i32, i32
  }
  func.func @transform_6(%arg0: i32) -> (i32, i32) {
    %c0_i32 = arith.constant 0 : i32
    %c0_i32_0 = arith.constant 0 : i32
    %c0_i32_1 = arith.constant 0 : i32
    return %c0_i32, %c0_i32_0 : i32, i32
  }
  func.func @transform_7(%arg0: i32) -> (i32, i32) {
    %c0_i32 = arith.constant 0 : i32
    %c0_i32_0 = arith.constant 0 : i32
    %c0_i32_1 = arith.constant 0 : i32
    return %c0_i32, %c0_i32_0 : i32, i32
  }
  func.func @transform_8(%arg0: i32) -> (i32, i32) {
    %c0_i32 = arith.constant 0 : i32
    %c0_i32_0 = arith.constant 0 : i32
    %c0_i32_1 = arith.constant 0 : i32
    return %c0_i32, %c0_i32_0 : i32, i32
  }
  func.func @transform_9(%arg0: i32) -> (i32, i32) {
    %c0_i32 = arith.constant 0 : i32
    %c0_i32_0 = arith.constant 0 : i32
    %c0_i32_1 = arith.constant 0 : i32
    return %c0_i32, %c0_i32_0 : i32, i32
  }
  func.func @transform_10(%arg0: i32) -> (i32, i32) {
    %c0_i32 = arith.constant 0 : i32
    %c0_i32_0 = arith.constant 0 : i32
    %c0_i32_1 = arith.constant 0 : i32
    return %c0_i32, %c0_i32_0 : i32, i32
  }
  func.func @transform_11(%arg0: i32) -> (i32, i32) {
    %c0_i32 = arith.constant 0 : i32
    %c0_i32_0 = arith.constant 0 : i32
    %c0_i32_1 = arith.constant 0 : i32
    return %c0_i32, %c0_i32_0 : i32, i32
  }
  func.func @transform_12(%arg0: i32) -> (i32, i32) {
    %c0_i32 = arith.constant 0 : i32
    %c0_i32_0 = arith.constant 0 : i32
    %c0_i32_1 = arith.constant 0 : i32
    return %c0_i32, %c0_i32_0 : i32, i32
  }
  func.func @transform_13(%arg0: i32) -> (i32, i32) {
    %c0_i32 = arith.constant 0 : i32
    %c0_i32_0 = arith.constant 0 : i32
    %c0_i32_1 = arith.constant 0 : i32
    return %c0_i32, %c0_i32_0 : i32, i32
  }
  func.func @transform_14(%arg0: i32) -> (i32, i32) {
    %c0_i32 = arith.constant 0 : i32
    %c0_i32_0 = arith.constant 0 : i32
    %c0_i32_1 = arith.constant 0 : i32
    return %c0_i32, %c0_i32_0 : i32, i32
  }
  func.func @transform_15(%arg0: i32) -> (i32, i32) {
    %c0_i32 = arith.constant 0 : i32
    %c0_i32_0 = arith.constant 0 : i32
    %c0_i32_1 = arith.constant 0 : i32
    return %c0_i32, %c0_i32_0 : i32, i32
  }
  func.func @transform_16(%arg0: i32) -> (i32, i32) {
    %c0_i32 = arith.constant 0 : i32
    %c0_i32_0 = arith.constant 0 : i32
    %c0_i32_1 = arith.constant 0 : i32
    return %c0_i32, %c0_i32_0 : i32, i32
  }
  func.func @transform_17(%arg0: i32) -> (i32, i32) {
    %c0_i32 = arith.constant 0 : i32
    %c0_i32_0 = arith.constant 0 : i32
    %c0_i32_1 = arith.constant 0 : i32
    return %c0_i32, %c0_i32_0 : i32, i32
  }
  func.func @transform_18(%arg0: i32) -> (i32, i32) {
    %c0_i32 = arith.constant 0 : i32
    %c0_i32_0 = arith.constant 0 : i32
    %c0_i32_1 = arith.constant 0 : i32
    return %c0_i32, %c0_i32_0 : i32, i32
  }
  func.func @transform_19(%arg0: i32) -> (i32, i32) {
    %c0_i32 = arith.constant 0 : i32
    %c0_i32_0 = arith.constant 0 : i32
    %c0_i32_1 = arith.constant 0 : i32
    return %c0_i32, %c0_i32_0 : i32, i32
  }
  func.func @transform_20(%arg0: i32) -> (i32, i32) {
    %c0_i32 = arith.constant 0 : i32
    %c0_i32_0 = arith.constant 0 : i32
    %c0_i32_1 = arith.constant 0 : i32
    return %c0_i32, %c0_i32_0 : i32, i32
  }
  func.func @transform_21(%arg0: i32) -> (i32, i32) {
    %c0_i32 = arith.constant 0 : i32
    %c0_i32_0 = arith.constant 0 : i32
    return %arg0, %c0_i32 : i32, i32
  }
}

module attributes {stable_mosaic.version = 14 : i64} {
  func.func @_add_body(%arg0: memref<2x400x500xf32, #tpu.memory_space<vmem>>, %arg1: memref<400x500xf32, #tpu.memory_space<vmem>>) attributes {dimension_semantics = [], scalar_prefetch = 0 : i64, scratch_operands = 0 : i64, tpu.core_type = #tpu.core_type<tc>} {
    %get3A = arith.constant 0 : index
    %get3A_0 = arith.constant 0 : index
    %get3A_1 = arith.constant 0 : index
    %get3A_2 = vector.load %arg0[%get3A, %get3A_0, %get3A_1] : memref<2x400x500xf32, #tpu.memory_space<vmem>>, vector<1x400x500xf32>
    %get3A_3 = vector.shape_cast %get3A_2 : vector<1x400x500xf32> to vector<400x500xf32>
    %get3A_4 = arith.constant 1 : index
    %get3A_5 = arith.constant 0 : index
    %get3A_6 = arith.constant 0 : index
    %get3A_7 = vector.load %arg0[%get3A_4, %get3A_5, %get3A_6] : memref<2x400x500xf32, #tpu.memory_space<vmem>>, vector<1x400x500xf32>
    %get3A_8 = vector.shape_cast %get3A_7 : vector<1x400x500xf32> to vector<400x500xf32>
    %add3A = arith.addf %get3A_3, %get3A_8 : vector<400x500xf32>
    %swap3A = arith.constant 0 : index
    %swap3A_9 = arith.constant 0 : index
    %swap3A_10 = vector.load %arg1[%swap3A, %swap3A_9] : memref<400x500xf32, #tpu.memory_space<vmem>>, vector<400x500xf32>
    tpu.vector_store %arg1[%swap3A, %swap3A_9], %add3A {strides = array<i32>} : memref<400x500xf32, #tpu.memory_space<vmem>>, vector<400x500xf32>,
    return
  }
}

</mosaic_0001>

<sc_bundles>
// kernel: kernel.10.cloned.1.call-start
scs
__scs_entry_jumppad:
0x0: {  	(pc) =	sbr.rel $0x88, $3  }
0x1: {  	(tag) =	ssettag $0x0;
	lr =	simm.s32 $0x1  }
0x2: {  	[smem:$0x3F93] =	sst lr;
	_ =	strace $0xD0000000  }
0x3: {  	_ = 	snop  }
0x4: {  	_ = 	snop  }
0x5: {  	_ = 	snop  }
0x6: {  	_ = 	snop  }
0x7: {  	_ = 	snop  }
__scs_overlays_trampoline_lowered:
0x8: {  	[smem:$0x3FA2] =	sst s0  }
0x9: {  	[smem:$0x3FA3] =	sst s1  }
0xa: {  	[smem:$0x3FA4] =	sst s2  }
0xb: {  	[smem:$0x3FA5] =	sst s3  }
0xc: {  	[smem:$0x3FA6] =	sst s4  }
0xd: {  	[smem:$0x3FA7] =	sst s5  }
0xe: {  	[smem:$0x3FA8] =	sst s6  }
0xf: {  	[smem:$0x3FA9] =	sst s7  }
0x10: {  	[smem:$0x3FAA] =	sst s8  }
0x11: {  	[smem:$0x3FAB] =	sst s9;
	s0 =	simm.s32 @!p0 $0x0  }
0x12: {  	s1 =	sld [smem:$0x3F91];
	s0 =	simm.s32 @p0 $0x1  }
0x13: {  	[smem:$0x3FAC] =	sst s0;
	s0 =	simm.s32 @!p1 $0x0  }
0x14: {  	s2 =	sld [smem:$0x3F90];
	s0 =	simm.s32 @p1 $0x1  }
0x15: {  	[smem:$0x3FAD] =	sst s0;
	s0 =	simm.s32 @!p2 $0x0  }
0x16: {  	s3 =	sld [smem:$0x3FDB];
	s0 =	simm.s32 @p2 $0x1  }
0x17: {  	s4 =	simm.s32 $0x1BF5;
	[smem:$0x3FAF] =	sst s0  }
0x18: {  	s0 =	sld [smem:$0x3F92];
	_ =	swait.ge [sflag:s4], $0x0  }
0x19: {  	s7 =	sld [smem:$0x3F93]  }
0x1a: {  	s8 =	sadd.s32 $0xFFFFE003, lr  }
0x1b: {  	s9 =	sadd.s32 $0xFFFFFEF7, lr;
	s5 =	simm.s32 $0xFFFFFFFF;
	p2 =	slt.u32 s8, $0xFFFFF086  }
0x1c: {  	p1 =	slt.u32 s9, $0xF7A;
	s5 =	simm.s32 @!p2 $0x0  }
0x1d: {  	s5 =	simm.s32 @p1 $0x1;
	p0 =	seq.s32 s7, s2  }
0x1e: {  	s7 =	smul.u32 @!p0 $0xF7A, s2;
	p2 =	seq.s32 @!p0 s5, $0x0  }
0x1f: {  	s9 =	smul.u32 $0xF7A, s1;
	s8 =	simm.s32 @!p0 $0x1BF5;
	p2 =	por !p2, p0  }
0x20: {  	[sflag:s8] =	ssyncset.s32 @!p0 $0xFFFFF086;
	s6 =	sadd.s32 @!p0 s3, s7;
	s7 =	simm.s32 @!p0 $0x108  }
0x21: {  	s3 =	sadd.s32 s3, s9;
	s6 =	sadd.s32 @!p0 $0x88, s6;
	s7 =	simm.s32 @p2 $0x1082  }
0x22: {  	[simem:s7], [sflag:s8] =	dma.local @!p0 [hbm:s6], $0xF7A  }
0x23: {  	s9 =	sor.u32 $0xD0000000, s2;
	s6 =	simm.s32 $0x108;
	_ =	swait.ge @!p0 [sflag:s8], $0x0  }
0x24: {  	s3 =	sadd.s32 $0x88, s3;
	s6 =	simm.s32 @!p1 $0x1082;
	[sflag:s4] =	ssyncset.s32 $0xFFFFF086  }
0x25: {  	[simem:s6], [sflag:s4] =	dma.local [hbm:s3], $0xF7A  }
0x26: {  	[smem:$0x3F93] =	sst s1;
	(tag) =	ssettag s2;
	_ =	strace s9  }
0x27: {  	s1 =	sld [smem:$0x3FA3]  }
0x28: {  	s2 =	sld [smem:$0x3FA4]  }
0x29: {  	s4 =	sld [smem:$0x3FA6]  }
0x2a: {  	p0 =	seq.s32 s5, $0x0;
	s5 =	sld [smem:$0x3FA7]  }
0x2b: {  	s6 =	sld [smem:$0x3FA8]  }
0x2c: {  	s7 =	sld [smem:$0x3FA9]  }
0x2d: {  	s3 =	simm.s32 $0x108;
	s8 =	sld [smem:$0x3FAA]  }
0x2e: {  	s3 =	simm.s32 @!p0 $0x1082;
	s9 =	sld [smem:$0x3FAB]  }
0x2f: {  	lr =	sadd.s32 s0, s3;
	s0 =	sld [smem:$0x3FA2]  }
0x30: {  	s3 =	sld [smem:$0x3FA5]  }
0x31: {  	[smem:$0x3FAE] =	sst s10  }
0x32: {  	s10 =	sld [smem:$0x3FAC];
	_ =	sdelay $0x3  }
0x33: {  	p0 =	seq.s32 s10, $0x1;
	s10 =	sld [smem:$0x3FAE];
	_ =	sdelay $0x3  }
0x34: {  	[smem:$0x3FAE] =	sst s10  }
0x35: {  	s10 =	sld [smem:$0x3FAD];
	_ =	sdelay $0x3  }
0x36: {  	p1 =	seq.s32 s10, $0x1;
	s10 =	sld [smem:$0x3FAE];
	_ =	sdelay $0x3  }
0x37: {  	[smem:$0x3FAE] =	sst s10  }
0x38: {  	s10 =	sld [smem:$0x3FAF]  }
0x39: {  	_ = 	snop;
	(pc) =	sbr.ind lr, $3  }
0x3a: {  	_ = 	snop  }
0x3b: {  	_ = 	snop  }
0x3c: {  	p2 =	seq.s32 s10, $0x1;
	s10 =	sld [smem:$0x3FAE]  }
0x3d: {  	_ =	shalt  }
0x3e: {  	_ =	shalt  }
0x3f: {  	_ =	shalt  }
0x40: {  	_ =	shalt  }
0x41: {  	_ =	shalt  }
0x42: {  	_ =	shalt  }
0x43: {  	_ =	shalt  }
0x44: {  	_ =	shalt  }
0x45: {  	_ =	shalt  }
0x46: {  	_ =	shalt  }
0x47: {  	_ =	shalt  }
0x48: {  	_ =	shalt  }
0x49: {  	_ =	shalt  }
0x4a: {  	_ =	shalt  }
0x4b: {  	_ =	shalt  }
0x4c: {  	_ =	shalt  }
0x4d: {  	_ =	shalt  }
0x4e: {  	_ =	shalt  }
0x4f: {  	_ =	shalt  }
0x50: {  	_ =	shalt  }
0x51: {  	_ =	shalt  }
0x52: {  	_ =	shalt  }
0x53: {  	_ =	shalt  }
0x54: {  	_ =	shalt  }
0x55: {  	_ =	shalt  }
0x56: {  	_ =	shalt  }
0x57: {  	_ =	shalt  }
0x58: {  	_ =	shalt  }
0x59: {  	_ =	shalt  }
0x5a: {  	_ =	shalt  }
0x5b: {  	_ =	shalt  }
0x5c: {  	_ =	shalt  }
0x5d: {  	_ =	shalt  }
0x5e: {  	_ =	shalt  }
0x5f: {  	_ =	shalt  }
0x60: {  	_ =	shalt  }
0x61: {  	_ =	shalt  }
0x62: {  	_ =	shalt  }
0x63: {  	_ =	shalt  }
0x64: {  	_ =	shalt  }
0x65: {  	_ =	shalt  }
0x66: {  	_ =	shalt  }
0x67: {  	_ =	shalt  }
0x68: {  	_ =	shalt  }
0x69: {  	_ =	shalt  }
0x6a: {  	_ =	shalt  }
0x6b: {  	_ =	shalt  }
0x6c: {  	_ =	shalt  }
0x6d: {  	_ =	shalt  }
0x6e: {  	_ =	shalt  }
0x6f: {  	_ =	shalt  }
0x70: {  	_ =	shalt  }
0x71: {  	_ =	shalt  }
0x72: {  	_ =	shalt  }
0x73: {  	_ =	shalt  }
0x74: {  	_ =	shalt  }
0x75: {  	_ =	shalt  }
0x76: {  	_ =	shalt  }
0x77: {  	_ =	shalt  }
0x78: {  	_ =	shalt  }
0x79: {  	_ =	shalt  }
0x7a: {  	_ =	shalt  }
0x7b: {  	_ =	shalt  }
0x7c: {  	_ =	shalt  }
0x7d: {  	_ =	shalt  }
0x7e: {  	_ =	shalt  }
0x7f: {  	_ =	shalt  }
0x80: {  	_ =	shalt  }
0x81: {  	_ =	shalt  }
0x82: {  	_ =	shalt  }
0x83: {  	_ =	shalt  }
0x84: {  	_ =	shalt  }
0x85: {  	_ =	shalt  }
0x86: {  	_ =	shalt  }
0x87: {  	_ =	shalt  }
.Lfunc_end0:
.L_simem_size_0:
called_computation.1_lowered:
.L_overlay_start_0:
0x88: {  	s2 =	sld [smem:$0x3FD9]  }
0x89: {  	s3 =	sld [smem:$0x3FFE];
	_ =	sdelay $0x1  }
0x8a: {  	s1 =	srdreg.scid  }
0x8b: {  	s0 =	sand.u32 $0x1, s1  }
0x8c: {  	s17 =	sshll.u32 s0, $0xA;
	s2 =	sadd.s32 s3, s2  }
0x8d: {  	s2 =	sadd.s32 s2, s17  }
0x8e: {  	[smem:$0x3FBA] =	sst s2  }
0x8f: {  	_ = 	snop  }
0x90: {  	s2 =	sld [smem:$0x3FD0];
	(tm) =	ssettm $0x1  }
0x91: {  	s18 =	sld [smem:$0x3FFB];
	_ =	sdelay $0x3  }
0x92: {  	_ =	strace s18  }
0x93: {  	s3 =	sld [smem:$0x3FFC];
	_ =	sdelay $0x3  }
0x94: {  	_ =	strace s3  }
0x95: {  	s3 =	sld [smem:$0x3FFD];
	_ =	sdelay $0x3  }
0x96: {  	_ =	strace s3  }
0x97: {  	_ =	strace $0x8FFFFFFF  }
0x98: {  	s19 =	sld [smem:$0x3FDB];
	_ =	sdelay $0x1  }
0x99: {  	s4 =	simm.s32 $_scs_section_size  }
0x9a: {  	s5 =	simm.s32 $_size__tile_overlayer_lowered;
	s6 =	simm.s32 $_tile_overlayer_lowered  }
0x9b: {  	s22 =	simm.s32 $0x1BFF;
	s21 =	sshll.u32 s6, $0x1;
	s3 =	sadd.s32 s4, s19  }
0x9c: {  	s7 =	simm.s32 $0x0;
	s20 =	sshll.u32 s5, $0x1;
	s5 =	sadd.s32 s21, s3  }
0x9d: {  	[timem:s7], [sflag:s22] =	dma.local [hbm:s5], s20  }
0x9e: {  	_ =	swait.ge [sflag:s22], s20  }
0x9f: {  	s4 =	ssub.s32 $0x0, s20;
	[sflag:s22] =	ssyncset.done $0x0  }
0xa0: {  	[sflag:s22] =	ssyncadd.s32 s4;
	_ =	sdelay $0x1  }
0xa1: {  	s23 =	simm.s32 $0x1B8B  }
0xa2: {  	_ =	swait.ge [sflag:s23], $0x1  }
0xa3: {  	[sflag:s23] =	ssyncset.done $0x0  }
0xa4: {  	s25 =	simm.s32 $0x1B8E;
	s24 =	sld [smem:$0x3FFE];
	[sflag:s23] =	ssyncadd.s32 $0xFFFFFFFF  }
0xa5: {  	s26 =	simm.s32 $execute0_lowered;
	[smem:$0x3FD2] =	sst s25  }
0xa6: {  	s5 =	sshll.u32 s26, $0x1;
	_ =	strace $0x80000049;
	[dreg:$0x1] =	wrdreg $0xFFFFFFFF  }
0xa7: {  	s28 =	simm.s32 $_size_execute0_lowered;
	s3 =	sadd.s32 s3, s5;
	[dreg:$0x0] =	wrdreg $0x0  }
0xa8: {  	s5 =	sshll.u32 s28, $0x1;
	[dreg:$0x2] =	wrdreg s3  }
0xa9: {  	[dreg:$0x3] =	wrdreg s5  }
0xaa: {  	[dreg:$0x4] =	wrdreg $0xC0  }
0xab: {  	_ =	task [dreg:s7], $0x5FFFF  }
0xac: {  	[dreg:$0x1] =	wrdreg $0xFFFFFFFF  }
0xad: {  	[dreg:$0x0] =	wrdreg $0x60  }
0xae: {  	[dreg:$0x2] =	wrdreg s24  }
0xaf: {  	[dreg:$0x3] =	wrdreg s2  }
0xb0: {  	[dreg:$0x4] =	wrdreg $0xC4000  }
0xb1: {  	[dreg:$0x5] =	wrdreg $0x9  }
0xb2: {  	_ =	task.clear_ibuf [dreg:s7], $0x6FFFF;
	_ =	strace $0x90000049  }
0xb3: {  	s29 =	simm.s32 $0x9;
	_ =	strace $0x8000004B  }
0xb4: {  	_ =	swait.ge [sflag:s29], $0x1  }
0xb5: {  	[sflag:s29] =	ssyncadd.s32 $0xFFFFFFFF  }
0xb6: {  	_ =	strace $0x9000004B  }
0xb7: {  	_ =	sfence  }
0xb8: {  	s30 =	sld [smem:$0x0];
	_ =	sdelay $0x2  }
0xb9: {  	s31 =	sshll.u32 s1, $0xD;
	s1 =	sshrl.u32 s1, $0x2  }
0xba: {  	s3 =	sand.u32 $0x4000, s31;
	s1 =	sadd.s32 s1, s30  }
0xbb: {  	s0 =	sor.u32 s3, s0;
	s1 =	sshll.u32 s1, $0x11  }
0xbc: {  	s0 =	sor.u32 s1, s0  }
0xbd: {  	s0 =	sadd.s32 $0x8F2B, s0  }
0xbe: {  	[sflag:s0] =	ssyncadd.remote.s32 $0x1  }
0xbf: {  	_ =	sfence.sel $0xFFFF  }
0xc0: {  	[dreg:$0x0] =	wrdreg $0xFFFFFFFF;
	(pc) =	sbr.abs _section_cstart, $3  }
0xc1: {  	[dreg:$0x1] =	wrdreg $0xFFFFFFFF  }
0xc2: {  	_ =	task.clear_ibuf [dreg:s7], $0x2FFFF;
	_ =	strace $0x9FFFFFFF  }
0xc3: {  	(tm) =	ssettm $0x7FFFFFFF  }
tec
execute0_lowered:
.L_overlay_start_1:
0x0: {  	(tag) =	ssettag $0x1  }
0x1: {  	s4 =	rddreg [dreg:$0x0]  }
0x2: {  	s5 =	rddreg [dreg:$0x1]  }
0x3: {  	s2 =	rddreg [dreg:$0x2]  }
0x4: {  	s0 =	rddreg [dreg:$0x3]  }
0x5: {  	s3 =	srdreg.scid;
	s1 =	stileid.u32;
	s13 =	simm.s32 $0x80  }
0x6: {  	s14 =	simm.s32 $0x0;
	s6 =	sand.u32 $0x1, s3;
	s7 =	sshll.u32 s1, $0x1  }
0x7: {  	s8 =	smul.u32 $0x61A8, s1;
	s3 =	simm.s32 $0x0;
	p0 =	sgt.u32 s1, $0x7  }
0x8: {  	s7 =	sor.u32 s6, s7;
	s9 =	smul.u32 $0x30D40, s6;
	[smem:$0x7FF] =	sst s3  }
0x9: {  	s6 =	ssub.s32 $0x2, s6;
	s7 =	smul.u32 $0xC40, s7;
	_ =	strace $0x8000004A  }
0xa: {  	s31 =	sshrl.u32 s6, $0x1;
	s10 =	sshrl.u32 s8, $0x3;
	s12 =	sadd.s32 s8, s2  }
0xb: {  	s9 =	sadd.s32 s8, s9;
	s11 =	ssub.s32 s6, s31;
	s7 =	sadd.s32 s7, s4  }
0xc: {  	s9 =	sshrl.u32 s9, $0x3;
	s8 =	smax.u32 s11, $0x1;
	s11 =	simm.s32 $0x1  }
0xd: {  	s9 =	sadd.s32 s9, s4;
	s4 =	sadd.s32 s5, s10;
	s5 =	sadd.s32 $0x398000, s7  }
0xe: {  	s6 =	sadd.s32 $0x3A00, s7;
	s7 =	sadd.s32 $0x1C200, s9;
	s9 =	sshll.u32 @!p0 s1, $0x6  }
0xf: {  	s10 =	sshrl.u32 @!p0 s12, $0x3;
	s12 =	simm.s32 $0x6200;
	s9 =	sor.u32 @!p0 $0x1C01, s9  }
.LBB2_1:
0x10: {  	[spmem:s10], [sflag:s9] =	dma.local @!p0 [hbm:s4], $0xC35  }
0x11: {  	s15 =	simm.s32 @!p0 $0x1  }
0x12: {  	_ =	swait.ge @!p0 [sflag:s15], $0xC35  }
0x13: {  	[sflag:s15] =	ssyncset.done @!p0 $0x0  }
0x14: {  	[sflag:s15] =	ssyncadd.s32 @!p0 $0xFFFFF3CB  }
0x15: {  	[tilespmem:s3], [sflag:$0x1] =	stream.linear.gather [hbm4b:s5+s3], $0x6200, $0x38;
	[tilespmem:$0xF4D8] =	vst v63  }
0x16: {  	_ =	swait.ge [sflag:s11], $0x6200  }
0x17: {  	[sflag:s11] =	ssyncset.done $0x0  }
0x18: {  	[sflag:s11] =	ssyncadd.s32 $0xFFFF9E00  }
0x19: {  	[tilespmem:s12], [sflag:$0x1] =	stream.linear.gather [hbm4b:s6+s3], $0x6200, $0x38;
	[tilespmem:$0xF4D8] =	vst v63  }
0x1a: {  	_ =	swait.ge [sflag:s11], $0x6200  }
0x1b: {  	[sflag:s11] =	ssyncset.done $0x0  }
0x1c: {  	[sflag:s11] =	ssyncadd.s32 $0xFFFF9E00  }
0x1d: {  	s31 =	simm.s32 $0x0;
	s16 =	simm.s32 $0x6200;
	[bflag:$0x0] =	sbarrier.arrive $0xFFFF  }
0x1e: {  	[spmem:s2] =	stream.indirect.scatter.add.f32 [tilespmem:s16], [sflag:$0x1], $0x1, s31, s13, $0xb8;
	[tilespmem:$0xF4D8] =	vst v63  }
0x1f: {  	s15 =	simm.s32 $0x200;
	_ =	swait.ge [sflag:s11], $0x80  }
.LBB2_2:
0x20: {  	s16 =	sshra.s32 s15, $0x2;
	[sflag:s11] =	ssyncset.done $0x0;
	p1 =	sne.s32 s15, $0x18600  }
.Ltmp0:
0x21: {  	s17 =	sadd.s32 $0x6200, s16;
	[sflag:s11] =	ssyncadd.s32 $0xFFFFFF80;
	(pc) =	sbr.rel @p1 .LBB2_2-.Ltmp0, $3  }
0x22: {  	[spmem:s2] =	stream.indirect.scatter.add.f32 [tilespmem:s17], [sflag:$0x1], $0x1, s16, s13, $0xb8;
	[tilespmem:$0xF4D8] =	vst v63  }
0x23: {  	s15 =	sadd.s32 $0x200, s15;
	_ =	sdelay $0x1  }
0x24: {  	_ =	swait.ge [sflag:s11], $0x80  }
0x25: {  	[sflag:s11] =	ssyncset.done $0x0;
	s14 =	sadd.s32 $0x1, s14  }
0x26: {  	[sflag:s11] =	ssyncadd.s32 $0xFFFFFF80;
	p1 =	sne.s32 s14, s8  }
.Ltmp1:
0x27: {  	s15 =	simm.s32 @!p0 $0x1;
	[bflag:$0x0] =	sbarrier.arrive $0xFFFF;
	(pc) =	sbr.rel @p1 .LBB2_1-.Ltmp1, $4  }
0x28: {  	[hbm:s7], [sflag:s9] =	dma.local @!p0 [spmem:s10], $0xC35  }
0x29: {  	_ =	swait.ge @!p0 [sflag:s15], $0xC35  }
0x2a: {  	[sflag:s15] =	ssyncset.done @!p0 $0x0  }
0x2b: {  	[sflag:s15] =	ssyncadd.s32 @!p0 $0xFFFFF3CB  }
0x2c: {  	_ =	sfence.sel $0x180000  }
0x2d: {  	[bflag:$0x0] =	sbarrier.arrive $0xFFFF  }
0x2e: {  	p0 =	sne.s32 s1, $0x0;
	_ =	strace $0x9000004A  }
0x2f: {  	s0 =	sadd.s32 @!p0 $0x100000, s0;
	[bflag:$0x2] =	sbarrier.arrive $0xFFFF  }
0x30: {  	[sflag:s0] =	ssyncadd.tile.s32 @!p0 $0x1;
	_ =	shalt  }
.Lfunc_end2:
_tile_overlayer_lowered:
.L_overlay_start_2:
0x31: {  	(tag) =	ssettag $0x2  }
0x32: {  	s0 =	rddreg [dreg:$0x0];
	s2 =	stileid.u32  }
0x33: {  	s1 =	rddreg [dreg:$0x1];
	p0 =	sne.s32 s2, $0x0  }
0x34: {  	s3 =	rddreg [dreg:$0x2];
	[bflag:$0x3] =	sbarrier.arrive $0xFFFF;
	s2 =	simm.s32 @!p0 $0x1C01  }
0x35: {  	[timem:s3], [sflag:s2] =	dma.local @!p0 [hbm:s0], s1  }
0x36: {  	s0 =	simm.s32 @!p0 $0x1  }
0x37: {  	_ =	swait.ge @!p0 [sflag:s0], s1  }
0x38: {  	s1 =	ssub.s32 @!p0 $0x0, s1;
	[sflag:s0] =	ssyncset.done @!p0 $0x0  }
0x39: {  	[sflag:s0] =	ssyncadd.s32 @!p0 s1  }
0x3a: {  	[bflag:$0x3] =	sbarrier.arrive $0xFFFF  }
0x3b: {  	_ =	shalt  }

// kernel: kernel.7.cloned.1.call-start
scs
__scs_entry_jumppad:
0x0: {  	(pc) =	sbr.rel $0x88, $3  }
0x1: {  	(tag) =	ssettag $0x0;
	lr =	simm.s32 $0x1  }
0x2: {  	[smem:$0x3F93] =	sst lr;
	_ =	strace $0xD0000000  }
0x3: {  	_ = 	snop  }
0x4: {  	_ = 	snop  }
0x5: {  	_ = 	snop  }
0x6: {  	_ = 	snop  }
0x7: {  	_ = 	snop  }
__scs_overlays_trampoline_lowered:
0x8: {  	[smem:$0x3FA2] =	sst s0  }
0x9: {  	[smem:$0x3FA3] =	sst s1  }
0xa: {  	[smem:$0x3FA4] =	sst s2  }
0xb: {  	[smem:$0x3FA5] =	sst s3  }
0xc: {  	[smem:$0x3FA6] =	sst s4  }
0xd: {  	[smem:$0x3FA7] =	sst s5  }
0xe: {  	[smem:$0x3FA8] =	sst s6  }
0xf: {  	[smem:$0x3FA9] =	sst s7  }
0x10: {  	[smem:$0x3FAA] =	sst s8  }
0x11: {  	[smem:$0x3FAB] =	sst s9;
	s0 =	simm.s32 @!p0 $0x0  }
0x12: {  	s1 =	sld [smem:$0x3F91];
	s0 =	simm.s32 @p0 $0x1  }
0x13: {  	[smem:$0x3FAC] =	sst s0;
	s0 =	simm.s32 @!p1 $0x0  }
0x14: {  	s2 =	sld [smem:$0x3F90];
	s0 =	simm.s32 @p1 $0x1  }
0x15: {  	[smem:$0x3FAD] =	sst s0;
	s0 =	simm.s32 @!p2 $0x0  }
0x16: {  	s3 =	sld [smem:$0x3FDB];
	s0 =	simm.s32 @p2 $0x1  }
0x17: {  	s4 =	simm.s32 $0x1BF5;
	[smem:$0x3FAF] =	sst s0  }
0x18: {  	s0 =	sld [smem:$0x3F92];
	_ =	swait.ge [sflag:s4], $0x0  }
0x19: {  	s7 =	sld [smem:$0x3F93]  }
0x1a: {  	s8 =	sadd.s32 $0xFFFFE003, lr  }
0x1b: {  	s9 =	sadd.s32 $0xFFFFFEF7, lr;
	s5 =	simm.s32 $0xFFFFFFFF;
	p2 =	slt.u32 s8, $0xFFFFF086  }
0x1c: {  	p1 =	slt.u32 s9, $0xF7A;
	s5 =	simm.s32 @!p2 $0x0  }
0x1d: {  	s5 =	simm.s32 @p1 $0x1;
	p0 =	seq.s32 s7, s2  }
0x1e: {  	s7 =	smul.u32 @!p0 $0xF7A, s2;
	p2 =	seq.s32 @!p0 s5, $0x0  }
0x1f: {  	s9 =	smul.u32 $0xF7A, s1;
	s8 =	simm.s32 @!p0 $0x1BF5;
	p2 =	por !p2, p0  }
0x20: {  	[sflag:s8] =	ssyncset.s32 @!p0 $0xFFFFF086;
	s6 =	sadd.s32 @!p0 s3, s7;
	s7 =	simm.s32 @!p0 $0x108  }
0x21: {  	s3 =	sadd.s32 s3, s9;
	s6 =	sadd.s32 @!p0 $0x88, s6;
	s7 =	simm.s32 @p2 $0x1082  }
0x22: {  	[simem:s7], [sflag:s8] =	dma.local @!p0 [hbm:s6], $0xF7A  }
0x23: {  	s9 =	sor.u32 $0xD0000000, s2;
	s6 =	simm.s32 $0x108;
	_ =	swait.ge @!p0 [sflag:s8], $0x0  }
0x24: {  	s3 =	sadd.s32 $0x88, s3;
	s6 =	simm.s32 @!p1 $0x1082;
	[sflag:s4] =	ssyncset.s32 $0xFFFFF086  }
0x25: {  	[simem:s6], [sflag:s4] =	dma.local [hbm:s3], $0xF7A  }
0x26: {  	[smem:$0x3F93] =	sst s1;
	(tag) =	ssettag s2;
	_ =	strace s9  }
0x27: {  	s1 =	sld [smem:$0x3FA3]  }
0x28: {  	s2 =	sld [smem:$0x3FA4]  }
0x29: {  	s4 =	sld [smem:$0x3FA6]  }
0x2a: {  	p0 =	seq.s32 s5, $0x0;
	s5 =	sld [smem:$0x3FA7]  }
0x2b: {  	s6 =	sld [smem:$0x3FA8]  }
0x2c: {  	s7 =	sld [smem:$0x3FA9]  }
0x2d: {  	s3 =	simm.s32 $0x108;
	s8 =	sld [smem:$0x3FAA]  }
0x2e: {  	s3 =	simm.s32 @!p0 $0x1082;
	s9 =	sld [smem:$0x3FAB]  }
0x2f: {  	lr =	sadd.s32 s0, s3;
	s0 =	sld [smem:$0x3FA2]  }
0x30: {  	s3 =	sld [smem:$0x3FA5]  }
0x31: {  	[smem:$0x3FAE] =	sst s10  }
0x32: {  	s10 =	sld [smem:$0x3FAC];
	_ =	sdelay $0x3  }
0x33: {  	p0 =	seq.s32 s10, $0x1;
	s10 =	sld [smem:$0x3FAE];
	_ =	sdelay $0x3  }
0x34: {  	[smem:$0x3FAE] =	sst s10  }
0x35: {  	s10 =	sld [smem:$0x3FAD];
	_ =	sdelay $0x3  }
0x36: {  	p1 =	seq.s32 s10, $0x1;
	s10 =	sld [smem:$0x3FAE];
	_ =	sdelay $0x3  }
0x37: {  	[smem:$0x3FAE] =	sst s10  }
0x38: {  	s10 =	sld [smem:$0x3FAF]  }
0x39: {  	_ = 	snop;
	(pc) =	sbr.ind lr, $3  }
0x3a: {  	_ = 	snop  }
0x3b: {  	_ = 	snop  }
0x3c: {  	p2 =	seq.s32 s10, $0x1;
	s10 =	sld [smem:$0x3FAE]  }
0x3d: {  	_ =	shalt  }
0x3e: {  	_ =	shalt  }
0x3f: {  	_ =	shalt  }
0x40: {  	_ =	shalt  }
0x41: {  	_ =	shalt  }
0x42: {  	_ =	shalt  }
0x43: {  	_ =	shalt  }
0x44: {  	_ =	shalt  }
0x45: {  	_ =	shalt  }
0x46: {  	_ =	shalt  }
0x47: {  	_ =	shalt  }
0x48: {  	_ =	shalt  }
0x49: {  	_ =	shalt  }
0x4a: {  	_ =	shalt  }
0x4b: {  	_ =	shalt  }
0x4c: {  	_ =	shalt  }
0x4d: {  	_ =	shalt  }
0x4e: {  	_ =	shalt  }
0x4f: {  	_ =	shalt  }
0x50: {  	_ =	shalt  }
0x51: {  	_ =	shalt  }
0x52: {  	_ =	shalt  }
0x53: {  	_ =	shalt  }
0x54: {  	_ =	shalt  }
0x55: {  	_ =	shalt  }
0x56: {  	_ =	shalt  }
0x57: {  	_ =	shalt  }
0x58: {  	_ =	shalt  }
0x59: {  	_ =	shalt  }
0x5a: {  	_ =	shalt  }
0x5b: {  	_ =	shalt  }
0x5c: {  	_ =	shalt  }
0x5d: {  	_ =	shalt  }
0x5e: {  	_ =	shalt  }
0x5f: {  	_ =	shalt  }
0x60: {  	_ =	shalt  }
0x61: {  	_ =	shalt  }
0x62: {  	_ =	shalt  }
0x63: {  	_ =	shalt  }
0x64: {  	_ =	shalt  }
0x65: {  	_ =	shalt  }
0x66: {  	_ =	shalt  }
0x67: {  	_ =	shalt  }
0x68: {  	_ =	shalt  }
0x69: {  	_ =	shalt  }
0x6a: {  	_ =	shalt  }
0x6b: {  	_ =	shalt  }
0x6c: {  	_ =	shalt  }
0x6d: {  	_ =	shalt  }
0x6e: {  	_ =	shalt  }
0x6f: {  	_ =	shalt  }
0x70: {  	_ =	shalt  }
0x71: {  	_ =	shalt  }
0x72: {  	_ =	shalt  }
0x73: {  	_ =	shalt  }
0x74: {  	_ =	shalt  }
0x75: {  	_ =	shalt  }
0x76: {  	_ =	shalt  }
0x77: {  	_ =	shalt  }
0x78: {  	_ =	shalt  }
0x79: {  	_ =	shalt  }
0x7a: {  	_ =	shalt  }
0x7b: {  	_ =	shalt  }
0x7c: {  	_ =	shalt  }
0x7d: {  	_ =	shalt  }
0x7e: {  	_ =	shalt  }
0x7f: {  	_ =	shalt  }
0x80: {  	_ =	shalt  }
0x81: {  	_ =	shalt  }
0x82: {  	_ =	shalt  }
0x83: {  	_ =	shalt  }
0x84: {  	_ =	shalt  }
0x85: {  	_ =	shalt  }
0x86: {  	_ =	shalt  }
0x87: {  	_ =	shalt  }
.Lfunc_end0:
.L_simem_size_0:
called_computation_lowered:
.L_overlay_start_0:
0x88: {  	s2 =	sld [smem:$0x3FD9]  }
0x89: {  	s3 =	sld [smem:$0x3FFE];
	_ =	sdelay $0x1  }
0x8a: {  	s1 =	srdreg.scid  }
0x8b: {  	s0 =	sand.u32 $0x1, s1  }
0x8c: {  	s16 =	sshll.u32 s0, $0xA;
	s2 =	sadd.s32 s3, s2  }
0x8d: {  	s2 =	sadd.s32 s2, s16  }
0x8e: {  	[smem:$0x3FBA] =	sst s2  }
0x8f: {  	_ = 	snop  }
0x90: {  	(tm) =	ssettm $0x1  }
0x91: {  	s17 =	sld [smem:$0x3FFB];
	_ =	sdelay $0x3  }
0x92: {  	_ =	strace s17  }
0x93: {  	s2 =	sld [smem:$0x3FFC];
	_ =	sdelay $0x3  }
0x94: {  	_ =	strace s2  }
0x95: {  	s2 =	sld [smem:$0x3FFD];
	_ =	sdelay $0x3  }
0x96: {  	_ =	strace s2  }
0x97: {  	_ =	strace $0x8FFFFFFF  }
0x98: {  	s18 =	sld [smem:$0x3FDB];
	_ =	sdelay $0x1  }
0x99: {  	s19 =	simm.s32 $_scs_section_size  }
0x9a: {  	s4 =	simm.s32 $_size__tile_overlayer_lowered;
	s5 =	simm.s32 $_tile_overlayer_lowered  }
0x9b: {  	s22 =	simm.s32 $0x1BFF;
	s21 =	sshll.u32 s5, $0x1;
	s2 =	sadd.s32 s19, s18  }
0x9c: {  	s6 =	simm.s32 $0x0;
	s20 =	sshll.u32 s4, $0x1;
	s4 =	sadd.s32 s21, s2  }
0x9d: {  	[timem:s6], [sflag:s22] =	dma.local [hbm:s4], s20  }
0x9e: {  	_ =	swait.ge [sflag:s22], s20  }
0x9f: {  	s3 =	ssub.s32 $0x0, s20;
	[sflag:s22] =	ssyncset.done $0x0  }
0xa0: {  	[sflag:s22] =	ssyncadd.s32 s3;
	_ =	sdelay $0x1  }
0xa1: {  	s23 =	simm.s32 $0x1B8B  }
0xa2: {  	_ =	swait.ge [sflag:s23], $0x1  }
0xa3: {  	[sflag:s23] =	ssyncset.done $0x0  }
0xa4: {  	s25 =	simm.s32 $0x1B8E;
	s24 =	sld [smem:$0x3FFE];
	[sflag:s23] =	ssyncadd.s32 $0xFFFFFFFF  }
0xa5: {  	s26 =	simm.s32 $execute0_lowered;
	[smem:$0x3FD2] =	sst s25  }
0xa6: {  	s4 =	sshll.u32 s26, $0x1;
	_ =	strace $0x80000046;
	[dreg:$0x1] =	wrdreg $0xFFFFFFFF  }
0xa7: {  	s28 =	simm.s32 $_size_execute0_lowered;
	s2 =	sadd.s32 s2, s4;
	[dreg:$0x0] =	wrdreg $0x0  }
0xa8: {  	s4 =	sshll.u32 s28, $0x1;
	[dreg:$0x2] =	wrdreg s2  }
0xa9: {  	[dreg:$0x3] =	wrdreg s4  }
0xaa: {  	[dreg:$0x4] =	wrdreg $0xC0  }
0xab: {  	_ =	task [dreg:s6], $0x5FFFF  }
0xac: {  	[dreg:$0x1] =	wrdreg $0xFFFFFFFF  }
0xad: {  	[dreg:$0x0] =	wrdreg $0x60  }
0xae: {  	[dreg:$0x2] =	wrdreg s24  }
0xaf: {  	[dreg:$0x3] =	wrdreg $0x9  }
0xb0: {  	_ =	task.clear_ibuf [dreg:s6], $0x4FFFF;
	_ =	strace $0x90000046  }
0xb1: {  	s29 =	simm.s32 $0x9;
	_ =	strace $0x80000048  }
0xb2: {  	_ =	swait.ge [sflag:s29], $0x1  }
0xb3: {  	[sflag:s29] =	ssyncadd.s32 $0xFFFFFFFF  }
0xb4: {  	_ =	strace $0x90000048  }
0xb5: {  	_ =	sfence  }
0xb6: {  	s30 =	sld [smem:$0x0];
	_ =	sdelay $0x2  }
0xb7: {  	s31 =	sshll.u32 s1, $0xD;
	s1 =	sshrl.u32 s1, $0x2  }
0xb8: {  	s3 =	sand.u32 $0x4000, s31;
	s1 =	sadd.s32 s1, s30  }
0xb9: {  	s0 =	sor.u32 s3, s0;
	s1 =	sshll.u32 s1, $0x11  }
0xba: {  	s0 =	sor.u32 s1, s0  }
0xbb: {  	s0 =	sadd.s32 $0x8F2B, s0  }
0xbc: {  	[sflag:s0] =	ssyncadd.remote.s32 $0x1  }
0xbd: {  	_ =	sfence.sel $0xFFFF  }
0xbe: {  	[dreg:$0x0] =	wrdreg $0xFFFFFFFF;
	(pc) =	sbr.abs _section_cstart, $3  }
0xbf: {  	[dreg:$0x1] =	wrdreg $0xFFFFFFFF  }
0xc0: {  	_ =	task.clear_ibuf [dreg:s6], $0x2FFFF;
	_ =	strace $0x9FFFFFFF  }
0xc1: {  	(tm) =	ssettm $0x7FFFFFFF  }
tec
execute0_lowered:
.L_overlay_start_1:
0x0: {  	(tag) =	ssettag $0x1  }
0x1: {  	s1 =	srdreg.scid;
	s0 =	stileid.u32  }
0x2: {  	s5 =	rddreg [dreg:$0x0];
	s2 =	simm.s32 $0x0;
	s8 =	simm.s32 $0x80  }
0x3: {  	s9 =	simm.s32 $0x1;
	s4 =	sand.u32 $0x1, s1;
	s30 =	sshll.u32 s0, $0x1  }
0x4: {  	s10 =	simm.s32 $0x3100;
	s1 =	rddreg [dreg:$0x1];
	s3 =	sor.u32 s4, s30  }
0x5: {  	s11 =	simm.s32 $0x0;
	[smem:$0x7FF] =	sst s2;
	s6 =	smul.u32 $0x620, s3  }
0x6: {  	_ =	strace $0x80000047;
	s4 =	ssub.s32 $0x2, s4;
	s7 =	smul.u32 $0x3100, s3  }
0x7: {  	s3 =	sadd.s32 $0x3A00, s5;
	s31 =	sshrl.u32 s4, $0x1;
	s6 =	sadd.s32 s6, s5  }
0x8: {  	s5 =	sadd.s32 s7, s5;
	s7 =	ssub.s32 s4, s31;
	s4 =	sadd.s32 $0x1C200, s6  }
0x9: {  	s5 =	sadd.s32 $0x28600, s5;
	s6 =	smax.u32 s7, $0x1;
	s7 =	simm.s32 $0x2  }
.LBB2_1:
0xa: {  	[tilespmem:s2], [sflag:$0x2] =	stream.linear.gather [hbm4b:s4+s2], $0x3100, $0x38;
	[tilespmem:$0x1B900] =	vst v63  }
0xb: {  	_ =	swait.ge [sflag:s7], $0x3100  }
0xc: {  	[sflag:s7] =	ssyncset.done $0x0  }
0xd: {  	s12 =	simm.s32 $0x0;
	[sflag:s7] =	ssyncadd.s32 $0xFFFFCF00  }
0xe: {  	[tilespmem:s10], [sflag:$0x1] =	stream.indirect.gather [hbm4b:s3+s8], $0x2, s12, s8, $0xb8;
	[tilespmem:$0x1B900] =	vst v63  }
0xf: {  	_ =	swait.ge [sflag:s9], $0x100  }
0x10: {  	s13 =	simm.s32 $0x3100;
	s12 =	simm.s32 $0x200;
	[sflag:s9] =	ssyncset.done $0x0  }
.LBB2_2:
0x11: {  	s14 =	sshra.s32 s12, $0x2  }
0x12: {  	[sflag:s9] =	ssyncadd.s32 $0xFFFFFF00;
	s13 =	sadd.s32 $0x400, s13;
	p0 =	sne.s32 s12, $0xC200  }
0x13: {  	[tilespmem:s13], [sflag:$0x1] =	stream.indirect.gather [hbm4b:s3+s8], $0x2, s14, s8, $0xb8;
	[tilespmem:$0x1B900] =	vst v63  }
.Ltmp0:
0x14: {  	_ = 	snop;
	(pc) =	sbr.rel @p0 .LBB2_2-.Ltmp0, $4  }
0x15: {  	_ = 	snop  }
0x16: {  	s12 =	sadd.s32 $0x200, s12  }
0x17: {  	_ =	swait.ge [sflag:s9], $0x100  }
0x18: {  	[sflag:s9] =	ssyncset.done $0x0  }
0x19: {  	s11 =	sadd.s32 $0x1, s11  }
0x1a: {  	p0 =	sne.s32 s11, s6  }
.Ltmp1:
0x1b: {  	[sflag:s9] =	ssyncadd.s32 $0xFFFFFF00;
	(pc) =	sbr.rel @p0 .LBB2_1-.Ltmp1, $4  }
0x1c: {  	[hbm4b:s5+s2] =	stream.linear.scatter [tilespmem:s10], [sflag:$0x2], $0x18800, $0x38;
	[tilespmem:$0x1B900] =	vst v63  }
0x1d: {  	_ =	swait.ge [sflag:s7], $0x18800  }
0x1e: {  	[sflag:s7] =	ssyncset.done $0x0  }
0x1f: {  	[sflag:s7] =	ssyncadd.s32 $0xFFFE7800  }
0x20: {  	_ =	sfence.sel $0x180000  }
0x21: {  	[bflag:$0x0] =	sbarrier.arrive $0xFFFF  }
0x22: {  	p0 =	sne.s32 s0, $0x0;
	_ =	strace $0x90000047  }
0x23: {  	s0 =	sadd.s32 @!p0 $0x100000, s1;
	[bflag:$0x2] =	sbarrier.arrive $0xFFFF  }
0x24: {  	[sflag:s0] =	ssyncadd.tile.s32 @!p0 $0x1;
	_ =	shalt  }
.Lfunc_end2:
_tile_overlayer_lowered:
.L_overlay_start_2:
0x25: {  	(tag) =	ssettag $0x2  }
0x26: {  	s0 =	rddreg [dreg:$0x0];
	s2 =	stileid.u32  }
0x27: {  	s1 =	rddreg [dreg:$0x1];
	p0 =	sne.s32 s2, $0x0  }
0x28: {  	s3 =	rddreg [dreg:$0x2];
	[bflag:$0x3] =	sbarrier.arrive $0xFFFF;
	s2 =	simm.s32 @!p0 $0x1C02  }
0x29: {  	[timem:s3], [sflag:s2] =	dma.local @!p0 [hbm:s0], s1  }
0x2a: {  	s0 =	simm.s32 @!p0 $0x2  }
0x2b: {  	_ =	swait.ge @!p0 [sflag:s0], s1  }
0x2c: {  	s1 =	ssub.s32 @!p0 $0x0, s1;
	[sflag:s0] =	ssyncset.done @!p0 $0x0  }
0x2d: {  	[sflag:s0] =	ssyncadd.s32 @!p0 s1  }
0x2e: {  	[bflag:$0x3] =	sbarrier.arrive $0xFFFF  }
0x2f: {  	_ =	shalt  }

</sc_bundles>
